<compile_context>
chip_gen: v7x
topology: tpu7x:2x2x1
jax: 0.10.2.dev20260603
libtpu: 0.0.44.dev20260713+nightly
codegen_flags: <defaults>
</compile_context>

<pallas_src>
import jax
import jax.numpy as jnp
from jax import lax
from jax.experimental import pallas as pl
from jax.experimental.pallas import tpu as pltpu
from jax.experimental.pallas import tpu_sc as plsc

N_NODES = 10000
D_FEAT = 256
L = 16
NW = 32
CHUNK = 64
K_CHUNKS = 80
E_PAD = NW * K_CHUNKS * CHUNK
NB = CHUNK // L
NRING = 5


def _norm_body(z1_ref, n_ref):
    z = z1_ref[...]
    n_ref[...] = jnp.sum(z * z, axis=1)


def _edge_body(z1_hbm, z2_hbm, n_hbm, ts_hbm, e0_hbm, e1_hbm, gd_hbm,
               out_hbm, z2_v, n_v, ts_v, e0_v, e1_v, gd_v, out_v, s_v,
               col_v, semA, semB):
    wid = lax.axis_index("s") * 2 + lax.axis_index("c")
    base = wid * K_CHUNKS * CHUNK

    pltpu.sync_copy(z2_hbm, z2_v)
    pltpu.sync_copy(n_hbm, n_v)
    pltpu.sync_copy(ts_hbm, ts_v)
    pltpu.sync_copy(e0_hbm.at[pl.ds(base, K_CHUNKS * CHUNK)], e0_v)
    pltpu.sync_copy(e1_hbm.at[pl.ds(base, K_CHUNKS * CHUNK)], e1_v)
    pltpu.sync_copy(gd_hbm.at[pl.ds(base, K_CHUNKS * CHUNK)], gd_v)
    ts = ts_v[...]
    lane = lax.iota(jnp.int32, L)

    def issue_e0(c):
        pltpu.async_copy(z1_hbm.at[e0_v.at[pl.ds(c * CHUNK, CHUNK)]],
                         s_v.at[lax.rem(c, NRING)],
                         semA.at[lax.rem(c, NRING)])

    def wait_e0_issue_add(c):
        slot = lax.rem(c, NRING)
        pltpu.make_async_copy(z1_hbm.at[e0_v.at[pl.ds(c * CHUNK, CHUNK)]],
                              s_v.at[slot], semA.at[slot]).wait()
        pltpu.async_copy(z1_hbm.at[e1_v.at[pl.ds(c * CHUNK, CHUNK)]],
                         s_v.at[slot], semB.at[slot], add=True)

    for c in range(4):
        issue_e0(c)
    for c in range(2):
        wait_e0_issue_add(c)

    def chunk_body(c, carry):
        cur = lax.rem(c, NRING)

        @pl.when(c + 4 < K_CHUNKS)
        def _():
            issue_e0(c + 4)

        @pl.when(c + 2 < K_CHUNKS)
        def _():
            wait_e0_issue_add(c + 2)

        pltpu.make_async_copy(z1_hbm.at[e1_v.at[pl.ds(c * CHUNK, CHUNK)]],
                              s_v.at[cur], semB.at[cur]).wait()

        @plsc.parallel_loop(0, CHUNK, unroll=2)
        def edge_loop(e):
            accs = []
            for j in range(4):
                x = s_v[cur, e, pl.ds(j * L, L)]
                accs.append(x * x)
            for j in range(4, D_FEAT // L):
                x = s_v[cur, e, pl.ds(j * L, L)]
                accs[j % 4] = accs[j % 4] + x * x
            acc = (accs[0] + accs[1]) + (accs[2] + accs[3])
            plsc.store_scatter(col_v, [lane * CHUNK + e], acc)

        for b in range(NB):
            parts = [col_v[pl.ds(d2 * CHUNK + b * L, L)] for d2 in range(L)]
            while len(parts) > 1:
                parts = [parts[k] + parts[k + 1]
                         for k in range(0, len(parts), 2)]
            e0b = e0_v[pl.ds(c * CHUNK + b * L, L)]
            e1b = e1_v[pl.ds(c * CHUNK + b * L, L)]
            dot = 0.5 * (parts[0] - plsc.load_gather(n_v, [e0b])
                         - plsc.load_gather(n_v, [e1b]))
            vn = (plsc.load_gather(z2_v, [e0b]) +
                  plsc.load_gather(z2_v, [e1b]))
            gdb = gd_v[pl.ds(c * CHUNK + b * L, L)]
            flag = (dot + gdb) * ts >= 0.0
            sig_f = 1.0 / (1.0 + jnp.exp(-dot))
            sig_n = 1.0 / (1.0 + jnp.exp(-vn))
            out_v[pl.ds(c * CHUNK + b * L, L)] = jnp.where(flag, sig_f, sig_n)
        return 0

    lax.fori_loop(0, K_CHUNKS, chunk_body, 0, unroll=False)
    pltpu.sync_copy(out_v, out_hbm.at[pl.ds(base, K_CHUNKS * CHUNK)])


@jax.jit
def _decode(z1, z2f, n, ts16, e0, e1, gd):
    mesh = plsc.VectorSubcoreMesh(core_axis_name="c", subcore_axis_name="s")
    grid_kernel = pl.kernel(
        _edge_body,
        out_type=jax.ShapeDtypeStruct((E_PAD,), jnp.float32),
        mesh=mesh,
        scratch_types=[
            pltpu.VMEM((N_NODES,), jnp.float32),
            pltpu.VMEM((N_NODES,), jnp.float32),
            pltpu.VMEM((L,), jnp.float32),
            pltpu.VMEM((K_CHUNKS * CHUNK,), jnp.int32),
            pltpu.VMEM((K_CHUNKS * CHUNK,), jnp.int32),
            pltpu.VMEM((K_CHUNKS * CHUNK,), jnp.float32),
            pltpu.VMEM((K_CHUNKS * CHUNK,), jnp.float32),
            pltpu.VMEM((NRING, CHUNK, D_FEAT), jnp.float32),
            pltpu.VMEM((L * CHUNK,), jnp.float32),
            pltpu.SemaphoreType.DMA((NRING,)),
            pltpu.SemaphoreType.DMA((NRING,)),
        ],
        compiler_params=pltpu.CompilerParams(needs_layout_passes=False),
    )
    return grid_kernel(z1, z2f, n, ts16, e0, e1, gd)


def kernel(z1, z2, temp, edge_index):
    n_edges = edge_index.shape[1]
    tau = jnp.asarray(temp, dtype=jnp.float32)
    ts16 = jnp.full((L,), jnp.sign(tau), dtype=jnp.float32)

    u = jax.random.uniform(jax.random.key(42), (n_edges, 2),
                           minval=1e-10, maxval=1.0)
    g = -jnp.log(-jnp.log(u))

    pad = E_PAD - n_edges
    e0 = jnp.pad(edge_index[0], (0, pad))
    e1 = jnp.pad(edge_index[1], (0, pad))
    gd = jnp.pad(g[:, 0] - g[:, 1], (0, pad))
    z2f = z2.reshape(-1)

    nrm = pl.pallas_call(
        _norm_body,
        out_shape=jax.ShapeDtypeStruct((N_NODES,), jnp.float32),
    )(z1)

    out = _decode(z1, z2f, nrm, ts16, e0, e1, gd)
    return out[:n_edges]

# --- scband reference (transcript-rebuilt; emitter-appended) ---
"""Pipeline reference for scband-inner-product-decoder2-30743375905365 (READ-ONLY COPY).

The authoritative reference and input builder live on the scoring server;
editing this copy changes nothing except your own understanding.
"""

import jax, jax.numpy as jnp
import numpy as np

N_NODES = 10000
D_FEAT = 256
N_EDGES = 160000


def setup_inputs(seed: int = 0) -> dict:
    key = jax.random.key(seed)
    k1, k2, k3 = jax.random.split(key, 3)
    z1 = jax.random.normal(k1, (N_NODES, D_FEAT), dtype=jnp.float32)
    z2 = jax.random.normal(k2, (N_NODES, 1), dtype=jnp.float32)
    edge_index = jax.random.randint(k3, (2, N_EDGES), 0, N_NODES, dtype=jnp.int32)
    temp = 1
    return {"z1": z1, "z2": z2, "temp": temp, "edge_index": edge_index}


def _gumbel_softmax_hard(logits, tau, key):
    # torch F.gumbel_softmax(..., hard=True) with straight-through estimator
    u = jax.random.uniform(key, logits.shape, minval=1e-10, maxval=1.0)
    g = -jnp.log(-jnp.log(u))
    y_soft = jax.nn.softmax((logits + g) / tau, axis=-1)
    idx = jnp.argmax(y_soft, axis=-1)
    y_hard = jax.nn.one_hot(idx, logits.shape[-1], dtype=y_soft.dtype)
    # ret = y_hard - y_soft.detach() + y_soft
    return y_hard - jax.lax.stop_gradient(y_soft) + y_soft


def reference(z1, z2, temp, edge_index):
    # training=True, sigmoid=True branch
    e0 = edge_index[0]
    e1 = edge_index[1]
    # z11 = z1.detach().clone()
    z11 = jax.lax.stop_gradient(z1)
    vf = jnp.sum(z11[e0] * z11[e1], axis=1)  # [E] gather + per-edge dot
    la = jnp.concatenate([vf[:, None], jnp.zeros_like(vf)[:, None]], axis=1)  # [E, 2]
    a = _gumbel_softmax_hard(la, jnp.asarray(temp, dtype=jnp.float32), jax.random.key(42))[:, :1]  # [E, 1]
    value_feature = jnp.sum(z1[e0] * z1[e1], axis=1)  # [E]
    value_network = z2[e0, 0] + z2[e1, 0]  # [E]
    feature_flag = a.reshape(-1)  # [E]
    return feature_flag * jax.nn.sigmoid(value_feature) + (1.0 - feature_flag) * jax.nn.sigmoid(value_network)

if __name__ == "__main__":
    import jax
    _d = setup_inputs()
    print(jax.jit(kernel)(*tuple(_d.values())))

</pallas_src>

<mosaic_0001>
#map = affine_map<(d0, d1) -> (0, 0)>
#map1 = affine_map<(d0, d1) -> (0)>
module attributes {stable_mosaic.version = 14 : i64} {
  func.func @_edge_body(%arg0: i32, %arg1: i32, %arg2: memref<10000x256xf32, #tpu.memory_space<hbm>>, %arg3: memref<10000xf32, #tpu.memory_space<hbm>>, %arg4: memref<10000xf32, #tpu.memory_space<hbm>>, %arg5: memref<16xf32, #tpu.memory_space<hbm>>, %arg6: memref<163840xi32, #tpu.memory_space<hbm>>, %arg7: memref<163840xi32, #tpu.memory_space<hbm>>, %arg8: memref<163840xf32, #tpu.memory_space<hbm>>, %arg9: memref<163840xf32, #tpu.memory_space<hbm>>, %arg10: memref<10000xf32, #tpu.memory_space<vmem>>, %arg11: memref<10000xf32, #tpu.memory_space<vmem>>, %arg12: memref<16xf32, #tpu.memory_space<vmem>>, %arg13: memref<5120xi32, #tpu.memory_space<vmem>>, %arg14: memref<5120xi32, #tpu.memory_space<vmem>>, %arg15: memref<5120xf32, #tpu.memory_space<vmem>>, %arg16: memref<5120xf32, #tpu.memory_space<vmem>>, %arg17: memref<5x64x256xf32, #tpu.memory_space<vmem>>, %arg18: memref<1024xf32, #tpu.memory_space<vmem>>, %arg19: memref<5x!tpu.dma_semaphore, #tpu.memory_space<semaphore_mem>>, %arg20: memref<5x!tpu.dma_semaphore, #tpu.memory_space<semaphore_mem>>) attributes {dimension_semantics = [#tpu.dimension_semantics<core_parallel>, #tpu.dimension_semantics<subcore_parallel>], iteration_bounds = array<i64: 2, 16>, scalar_prefetch = 0 : i64, scratch_operands = 11 : i64, tpu.core_type = #tpu.core_type<sc_vector_subcore>, window_params = [{transform_indices = #map}, {transform_indices = #map1}, {transform_indices = #map1}, {transform_indices = #map1}, {transform_indices = #map1}, {transform_indices = #map1}, {transform_indices = #map1}, {transform_indices = #map1}]} {
    %mul3A = arith.constant 2 : i32
    %mul3A_0 = arith.muli %arg1, %mul3A : i32
    %add3A = arith.addi %mul3A_0, %arg0 : i32
    %mul3A_1 = arith.constant 80 : i32
    %mul3A_2 = arith.muli %add3A, %mul3A_1 : i32
    %mul3A_3 = arith.constant 64 : i32
    %mul3A_4 = arith.muli %mul3A_2, %mul3A_3 : i32
    "tpu.region"() ({
      %run_scoped3A = tpu.sem_alloc : memref<!tpu.dma_semaphore, #tpu.memory_space<semaphore_mem>>
      tpu.enqueue_dma source(%arg3 : memref<10000xf32, #tpu.memory_space<hbm>>) target(%arg10 : memref<10000xf32, #tpu.memory_space<vmem>>) target_semaphore(%run_scoped3A : memref<!tpu.dma_semaphore, #tpu.memory_space<semaphore_mem>>)
      tpu.wait_dma2 semaphore(%run_scoped3A : memref<!tpu.dma_semaphore, #tpu.memory_space<semaphore_mem>>) src(%arg3 : memref<10000xf32, #tpu.memory_space<hbm>>) dst(%arg10 : memref<10000xf32, #tpu.memory_space<vmem>>)
      tpu.yield
    }) : () -> ()
    "tpu.region"() ({
      %run_scoped3A = tpu.sem_alloc : memref<!tpu.dma_semaphore, #tpu.memory_space<semaphore_mem>>
      tpu.enqueue_dma source(%arg4 : memref<10000xf32, #tpu.memory_space<hbm>>) target(%arg11 : memref<10000xf32, #tpu.memory_space<vmem>>) target_semaphore(%run_scoped3A : memref<!tpu.dma_semaphore, #tpu.memory_space<semaphore_mem>>)
      tpu.wait_dma2 semaphore(%run_scoped3A : memref<!tpu.dma_semaphore, #tpu.memory_space<semaphore_mem>>) src(%arg4 : memref<10000xf32, #tpu.memory_space<hbm>>) dst(%arg11 : memref<10000xf32, #tpu.memory_space<vmem>>)
      tpu.yield
    }) : () -> ()
    "tpu.region"() ({
      %run_scoped3A = tpu.sem_alloc : memref<!tpu.dma_semaphore, #tpu.memory_space<semaphore_mem>>
      tpu.enqueue_dma source(%arg5 : memref<16xf32, #tpu.memory_space<hbm>>) target(%arg12 : memref<16xf32, #tpu.memory_space<vmem>>) target_semaphore(%run_scoped3A : memref<!tpu.dma_semaphore, #tpu.memory_space<semaphore_mem>>)
      tpu.wait_dma2 semaphore(%run_scoped3A : memref<!tpu.dma_semaphore, #tpu.memory_space<semaphore_mem>>) src(%arg5 : memref<16xf32, #tpu.memory_space<hbm>>) dst(%arg12 : memref<16xf32, #tpu.memory_space<vmem>>)
      tpu.yield
    }) : () -> ()
    "tpu.region"() ({
      %run_scoped3A = tpu.sem_alloc : memref<!tpu.dma_semaphore, #tpu.memory_space<semaphore_mem>>
      %dma_start3A_127 = tpu.memref_slice %arg6[%mul3A_4] : memref<163840xi32, #tpu.memory_space<hbm>> -> memref<5120xi32, #tpu.memory_space<hbm>>
      %dma_start3A_128 = tpu.memref_slice %arg6[%mul3A_4] : memref<163840xi32, #tpu.memory_space<hbm>> -> memref<5120xi32, #tpu.memory_space<hbm>>
      tpu.enqueue_dma source(%dma_start3A_128 : memref<5120xi32, #tpu.memory_space<hbm>>) target(%arg13 : memref<5120xi32, #tpu.memory_space<vmem>>) target_semaphore(%run_scoped3A : memref<!tpu.dma_semaphore, #tpu.memory_space<semaphore_mem>>)
      %dma_wait3A_129 = tpu.memref_slice %arg6[%mul3A_4] : memref<163840xi32, #tpu.memory_space<hbm>> -> memref<5120xi32, #tpu.memory_space<hbm>>
      %dma_wait3A_130 = tpu.memref_slice %arg6[%mul3A_4] : memref<163840xi32, #tpu.memory_space<hbm>> -> memref<5120xi32, #tpu.memory_space<hbm>>
      tpu.wait_dma2 semaphore(%run_scoped3A : memref<!tpu.dma_semaphore, #tpu.memory_space<semaphore_mem>>) src(%dma_wait3A_130 : memref<5120xi32, #tpu.memory_space<hbm>>) dst(%arg13 : memref<5120xi32, #tpu.memory_space<vmem>>)
      tpu.yield
    }) : () -> ()
    "tpu.region"() ({
      %run_scoped3A = tpu.sem_alloc : memref<!tpu.dma_semaphore, #tpu.memory_space<semaphore_mem>>
      %dma_start3A_127 = tpu.memref_slice %arg7[%mul3A_4] : memref<163840xi32, #tpu.memory_space<hbm>> -> memref<5120xi32, #tpu.memory_space<hbm>>
      %dma_start3A_128 = tpu.memref_slice %arg7[%mul3A_4] : memref<163840xi32, #tpu.memory_space<hbm>> -> memref<5120xi32, #tpu.memory_space<hbm>>
      tpu.enqueue_dma source(%dma_start3A_128 : memref<5120xi32, #tpu.memory_space<hbm>>) target(%arg14 : memref<5120xi32, #tpu.memory_space<vmem>>) target_semaphore(%run_scoped3A : memref<!tpu.dma_semaphore, #tpu.memory_space<semaphore_mem>>)
      %dma_wait3A_129 = tpu.memref_slice %arg7[%mul3A_4] : memref<163840xi32, #tpu.memory_space<hbm>> -> memref<5120xi32, #tpu.memory_space<hbm>>
      %dma_wait3A_130 = tpu.memref_slice %arg7[%mul3A_4] : memref<163840xi32, #tpu.memory_space<hbm>> -> memref<5120xi32, #tpu.memory_space<hbm>>
      tpu.wait_dma2 semaphore(%run_scoped3A : memref<!tpu.dma_semaphore, #tpu.memory_space<semaphore_mem>>) src(%dma_wait3A_130 : memref<5120xi32, #tpu.memory_space<hbm>>) dst(%arg14 : memref<5120xi32, #tpu.memory_space<vmem>>)
      tpu.yield
    }) : () -> ()
    "tpu.region"() ({
      %run_scoped3A = tpu.sem_alloc : memref<!tpu.dma_semaphore, #tpu.memory_space<semaphore_mem>>
      %dma_start3A_127 = tpu.memref_slice %arg8[%mul3A_4] : memref<163840xf32, #tpu.memory_space<hbm>> -> memref<5120xf32, #tpu.memory_space<hbm>>
      %dma_start3A_128 = tpu.memref_slice %arg8[%mul3A_4] : memref<163840xf32, #tpu.memory_space<hbm>> -> memref<5120xf32, #tpu.memory_space<hbm>>
      tpu.enqueue_dma source(%dma_start3A_128 : memref<5120xf32, #tpu.memory_space<hbm>>) target(%arg15 : memref<5120xf32, #tpu.memory_space<vmem>>) target_semaphore(%run_scoped3A : memref<!tpu.dma_semaphore, #tpu.memory_space<semaphore_mem>>)
      %dma_wait3A_129 = tpu.memref_slice %arg8[%mul3A_4] : memref<163840xf32, #tpu.memory_space<hbm>> -> memref<5120xf32, #tpu.memory_space<hbm>>
      %dma_wait3A_130 = tpu.memref_slice %arg8[%mul3A_4] : memref<163840xf32, #tpu.memory_space<hbm>> -> memref<5120xf32, #tpu.memory_space<hbm>>
      tpu.wait_dma2 semaphore(%run_scoped3A : memref<!tpu.dma_semaphore, #tpu.memory_space<semaphore_mem>>) src(%dma_wait3A_130 : memref<5120xf32, #tpu.memory_space<hbm>>) dst(%arg15 : memref<5120xf32, #tpu.memory_space<vmem>>)
      tpu.yield
    }) : () -> ()
    %get3A = arith.constant 0 : index
    %get3A_5 = tpu.vector_load %arg12[%get3A] {strides = array<i32>} : memref<16xf32, #tpu.memory_space<vmem>>, vector<16xf32>,
    %iota3A = tpu.iota {dimensions = array<i32: 0>} : vector<16xi32>
    %rem3A = arith.constant 0 : i32
    %rem3A_6 = arith.constant 5 : i32
    %rem3A_7 = arith.remsi %rem3A, %rem3A_6 : i32
    %rem3A_8 = arith.constant 0 : i32
    %rem3A_9 = arith.constant 5 : i32
    %rem3A_10 = arith.remsi %rem3A_8, %rem3A_9 : i32
    %dma_start3A = arith.constant 0 : i32
    %dma_start3A_11 = arith.constant 0 : i32
    %dma_start3A_12 = tpu.memref_slice %arg17[%rem3A_7, %dma_start3A, %dma_start3A_11] : memref<5x64x256xf32, #tpu.memory_space<vmem>> -> memref<1x64x256xf32, #tpu.memory_space<vmem>>
    %dma_start3A_13 = tpu.memref_squeeze %dma_start3A_12 : memref<1x64x256xf32, #tpu.memory_space<vmem>> -> memref<64x256xf32, #tpu.memory_space<vmem>>
    %dma_start3A_14 = arith.constant 0 : i32
    %dma_start3A_15 = tpu.memref_slice %arg13[%dma_start3A_14] : memref<5120xi32, #tpu.memory_space<vmem>> -> memref<64xi32, #tpu.memory_space<vmem>>
    %dma_start3A_16 = arith.constant 0 : i32
    %dma_start3A_17 = arith.constant 0 : i32
    %dma_start3A_18 = tpu.memref_slice %arg2[%dma_start3A_16, %dma_start3A_17] : memref<10000x256xf32, #tpu.memory_space<hbm>> -> memref<10000x256xf32, #tpu.memory_space<hbm>>
    %dma_start3A_19 = tpu.memref_slice %arg19[%rem3A_10] : memref<5x!tpu.dma_semaphore, #tpu.memory_space<semaphore_mem>> -> memref<1x!tpu.dma_semaphore, #tpu.memory_space<semaphore_mem>>
    %dma_start3A_20 = tpu.memref_squeeze %dma_start3A_19 : memref<1x!tpu.dma_semaphore, #tpu.memory_space<semaphore_mem>> -> memref<!tpu.dma_semaphore, #tpu.memory_space<semaphore_mem>>
    tpu.enqueue_indirect_dma source(%dma_start3A_18 : memref<10000x256xf32, #tpu.memory_space<hbm>>) target(%dma_start3A_13 : memref<64x256xf32, #tpu.memory_space<vmem>>) offsets(%dma_start3A_15 : memref<64xi32, #tpu.memory_space<vmem>>) semaphore(%dma_start3A_20 : memref<!tpu.dma_semaphore, #tpu.memory_space<semaphore_mem>>)
    %rem3A_21 = arith.constant 1 : i32
    %rem3A_22 = arith.constant 5 : i32
    %rem3A_23 = arith.remsi %rem3A_21, %rem3A_22 : i32
    %rem3A_24 = arith.constant 1 : i32
    %rem3A_25 = arith.constant 5 : i32
    %rem3A_26 = arith.remsi %rem3A_24, %rem3A_25 : i32
    %dma_start3A_27 = arith.constant 0 : i32
    %dma_start3A_28 = arith.constant 0 : i32
    %dma_start3A_29 = tpu.memref_slice %arg17[%rem3A_23, %dma_start3A_27, %dma_start3A_28] : memref<5x64x256xf32, #tpu.memory_space<vmem>> -> memref<1x64x256xf32, #tpu.memory_space<vmem>>
    %dma_start3A_30 = tpu.memref_squeeze %dma_start3A_29 : memref<1x64x256xf32, #tpu.memory_space<vmem>> -> memref<64x256xf32, #tpu.memory_space<vmem>>
    %dma_start3A_31 = arith.constant 64 : i32
    %dma_start3A_32 = tpu.memref_slice %arg13[%dma_start3A_31] : memref<5120xi32, #tpu.memory_space<vmem>> -> memref<64xi32, #tpu.memory_space<vmem>>
    %dma_start3A_33 = arith.constant 0 : i32
    %dma_start3A_34 = arith.constant 0 : i32
    %dma_start3A_35 = tpu.memref_slice %arg2[%dma_start3A_33, %dma_start3A_34] : memref<10000x256xf32, #tpu.memory_space<hbm>> -> memref<10000x256xf32, #tpu.memory_space<hbm>>
    %dma_start3A_36 = tpu.memref_slice %arg19[%rem3A_26] : memref<5x!tpu.dma_semaphore, #tpu.memory_space<semaphore_mem>> -> memref<1x!tpu.dma_semaphore, #tpu.memory_space<semaphore_mem>>
    %dma_start3A_37 = tpu.memref_squeeze %dma_start3A_36 : memref<1x!tpu.dma_semaphore, #tpu.memory_space<semaphore_mem>> -> memref<!tpu.dma_semaphore, #tpu.memory_space<semaphore_mem>>
    tpu.enqueue_indirect_dma source(%dma_start3A_35 : memref<10000x256xf32, #tpu.memory_space<hbm>>) target(%dma_start3A_30 : memref<64x256xf32, #tpu.memory_space<vmem>>) offsets(%dma_start3A_32 : memref<64xi32, #tpu.memory_space<vmem>>) semaphore(%dma_start3A_37 : memref<!tpu.dma_semaphore, #tpu.memory_space<semaphore_mem>>)
    %rem3A_38 = arith.constant 2 : i32
    %rem3A_39 = arith.constant 5 : i32
    %rem3A_40 = arith.remsi %rem3A_38, %rem3A_39 : i32
    %rem3A_41 = arith.constant 2 : i32
    %rem3A_42 = arith.constant 5 : i32
    %rem3A_43 = arith.remsi %rem3A_41, %rem3A_42 : i32
    %dma_start3A_44 = arith.constant 0 : i32
    %dma_start3A_45 = arith.constant 0 : i32
    %dma_start3A_46 = tpu.memref_slice %arg17[%rem3A_40, %dma_start3A_44, %dma_start3A_45] : memref<5x64x256xf32, #tpu.memory_space<vmem>> -> memref<1x64x256xf32, #tpu.memory_space<vmem>>
    %dma_start3A_47 = tpu.memref_squeeze %dma_start3A_46 : memref<1x64x256xf32, #tpu.memory_space<vmem>> -> memref<64x256xf32, #tpu.memory_space<vmem>>
    %dma_start3A_48 = arith.constant 128 : i32
    %dma_start3A_49 = tpu.memref_slice %arg13[%dma_start3A_48] : memref<5120xi32, #tpu.memory_space<vmem>> -> memref<64xi32, #tpu.memory_space<vmem>>
    %dma_start3A_50 = arith.constant 0 : i32
    %dma_start3A_51 = arith.constant 0 : i32
    %dma_start3A_52 = tpu.memref_slice %arg2[%dma_start3A_50, %dma_start3A_51] : memref<10000x256xf32, #tpu.memory_space<hbm>> -> memref<10000x256xf32, #tpu.memory_space<hbm>>
    %dma_start3A_53 = tpu.memref_slice %arg19[%rem3A_43] : memref<5x!tpu.dma_semaphore, #tpu.memory_space<semaphore_mem>> -> memref<1x!tpu.dma_semaphore, #tpu.memory_space<semaphore_mem>>
    %dma_start3A_54 = tpu.memref_squeeze %dma_start3A_53 : memref<1x!tpu.dma_semaphore, #tpu.memory_space<semaphore_mem>> -> memref<!tpu.dma_semaphore, #tpu.memory_space<semaphore_mem>>
    tpu.enqueue_indirect_dma source(%dma_start3A_52 : memref<10000x256xf32, #tpu.memory_space<hbm>>) target(%dma_start3A_47 : memref<64x256xf32, #tpu.memory_space<vmem>>) offsets(%dma_start3A_49 : memref<64xi32, #tpu.memory_space<vmem>>) semaphore(%dma_start3A_54 : memref<!tpu.dma_semaphore, #tpu.memory_space<semaphore_mem>>)
    %rem3A_55 = arith.constant 3 : i32
    %rem3A_56 = arith.constant 5 : i32
    %rem3A_57 = arith.remsi %rem3A_55, %rem3A_56 : i32
    %rem3A_58 = arith.constant 3 : i32
    %rem3A_59 = arith.constant 5 : i32
    %rem3A_60 = arith.remsi %rem3A_58, %rem3A_59 : i32
    %dma_start3A_61 = arith.constant 0 : i32
    %dma_start3A_62 = arith.constant 0 : i32
    %dma_start3A_63 = tpu.memref_slice %arg17[%rem3A_57, %dma_start3A_61, %dma_start3A_62] : memref<5x64x256xf32, #tpu.memory_space<vmem>> -> memref<1x64x256xf32, #tpu.memory_space<vmem>>
    %dma_start3A_64 = tpu.memref_squeeze %dma_start3A_63 : memref<1x64x256xf32, #tpu.memory_space<vmem>> -> memref<64x256xf32, #tpu.memory_space<vmem>>
    %dma_start3A_65 = arith.constant 192 : i32
    %dma_start3A_66 = tpu.memref_slice %arg13[%dma_start3A_65] : memref<5120xi32, #tpu.memory_space<vmem>> -> memref<64xi32, #tpu.memory_space<vmem>>
    %dma_start3A_67 = arith.constant 0 : i32
    %dma_start3A_68 = arith.constant 0 : i32
    %dma_start3A_69 = tpu.memref_slice %arg2[%dma_start3A_67, %dma_start3A_68] : memref<10000x256xf32, #tpu.memory_space<hbm>> -> memref<10000x256xf32, #tpu.memory_space<hbm>>
    %dma_start3A_70 = tpu.memref_slice %arg19[%rem3A_60] : memref<5x!tpu.dma_semaphore, #tpu.memory_space<semaphore_mem>> -> memref<1x!tpu.dma_semaphore, #tpu.memory_space<semaphore_mem>>
    %dma_start3A_71 = tpu.memref_squeeze %dma_start3A_70 : memref<1x!tpu.dma_semaphore, #tpu.memory_space<semaphore_mem>> -> memref<!tpu.dma_semaphore, #tpu.memory_space<semaphore_mem>>
    tpu.enqueue_indirect_dma source(%dma_start3A_69 : memref<10000x256xf32, #tpu.memory_space<hbm>>) target(%dma_start3A_64 : memref<64x256xf32, #tpu.memory_space<vmem>>) offsets(%dma_start3A_66 : memref<64xi32, #tpu.memory_space<vmem>>) semaphore(%dma_start3A_71 : memref<!tpu.dma_semaphore, #tpu.memory_space<semaphore_mem>>)
    %rem3A_72 = arith.constant 0 : i32
    %rem3A_73 = arith.constant 5 : i32
    %rem3A_74 = arith.remsi %rem3A_72, %rem3A_73 : i32
    %dma_wait3A = arith.constant 0 : i32
    %dma_wait3A_75 = arith.constant 0 : i32
    %dma_wait3A_76 = tpu.memref_slice %arg17[%rem3A_74, %dma_wait3A, %dma_wait3A_75] : memref<5x64x256xf32, #tpu.memory_space<vmem>> -> memref<1x64x256xf32, #tpu.memory_space<vmem>>
    %dma_wait3A_77 = tpu.memref_squeeze %dma_wait3A_76 : memref<1x64x256xf32, #tpu.memory_space<vmem>> -> memref<64x256xf32, #tpu.memory_space<vmem>>
    %dma_wait3A_78 = arith.constant 0 : i32
    %dma_wait3A_79 = tpu.memref_slice %arg13[%dma_wait3A_78] : memref<5120xi32, #tpu.memory_space<vmem>> -> memref<64xi32, #tpu.memory_space<vmem>>
    %dma_wait3A_80 = arith.constant 0 : i32
    %dma_wait3A_81 = arith.constant 0 : i32
    %dma_wait3A_82 = tpu.memref_slice %arg2[%dma_wait3A_80, %dma_wait3A_81] : memref<10000x256xf32, #tpu.memory_space<hbm>> -> memref<10000x256xf32, #tpu.memory_space<hbm>>
    %dma_wait3A_83 = tpu.memref_slice %arg19[%rem3A_74] : memref<5x!tpu.dma_semaphore, #tpu.memory_space<semaphore_mem>> -> memref<1x!tpu.dma_semaphore, #tpu.memory_space<semaphore_mem>>
    %dma_wait3A_84 = tpu.memref_squeeze %dma_wait3A_83 : memref<1x!tpu.dma_semaphore, #tpu.memory_space<semaphore_mem>> -> memref<!tpu.dma_semaphore, #tpu.memory_space<semaphore_mem>>
    tpu.wait_indirect_dma semaphore(%dma_wait3A_84 : memref<!tpu.dma_semaphore, #tpu.memory_space<semaphore_mem>>) src(%dma_wait3A_82 : memref<10000x256xf32, #tpu.memory_space<hbm>>) dst(%dma_wait3A_77 : memref<64x256xf32, #tpu.memory_space<vmem>>)
    %dma_start3A_85 = arith.constant 0 : i32
    %dma_start3A_86 = arith.constant 0 : i32
    %dma_start3A_87 = tpu.memref_slice %arg17[%rem3A_74, %dma_start3A_85, %dma_start3A_86] : memref<5x64x256xf32, #tpu.memory_space<vmem>> -> memref<1x64x256xf32, #tpu.memory_space<vmem>>
    %dma_start3A_88 = tpu.memref_squeeze %dma_start3A_87 : memref<1x64x256xf32, #tpu.memory_space<vmem>> -> memref<64x256xf32, #tpu.memory_space<vmem>>
    %dma_start3A_89 = arith.constant 0 : i32
    %dma_start3A_90 = tpu.memref_slice %arg14[%dma_start3A_89] : memref<5120xi32, #tpu.memory_space<vmem>> -> memref<64xi32, #tpu.memory_space<vmem>>
    %dma_start3A_91 = arith.constant 0 : i32
    %dma_start3A_92 = arith.constant 0 : i32
    %dma_start3A_93 = tpu.memref_slice %arg2[%dma_start3A_91, %dma_start3A_92] : memref<10000x256xf32, #tpu.memory_space<hbm>> -> memref<10000x256xf32, #tpu.memory_space<hbm>>
    %dma_start3A_94 = tpu.memref_slice %arg20[%rem3A_74] : memref<5x!tpu.dma_semaphore, #tpu.memory_space<semaphore_mem>> -> memref<1x!tpu.dma_semaphore, #tpu.memory_space<semaphore_mem>>
    %dma_start3A_95 = tpu.memref_squeeze %dma_start3A_94 : memref<1x!tpu.dma_semaphore, #tpu.memory_space<semaphore_mem>> -> memref<!tpu.dma_semaphore, #tpu.memory_space<semaphore_mem>>
    tpu.enqueue_indirect_dma source(%dma_start3A_93 : memref<10000x256xf32, #tpu.memory_space<hbm>>) target(%dma_start3A_88 : memref<64x256xf32, #tpu.memory_space<vmem>>) offsets(%dma_start3A_90 : memref<64xi32, #tpu.memory_space<vmem>>) semaphore(%dma_start3A_95 : memref<!tpu.dma_semaphore, #tpu.memory_space<semaphore_mem>>) {add = true}
    %rem3A_96 = arith.constant 1 : i32
    %rem3A_97 = arith.constant 5 : i32
    %rem3A_98 = arith.remsi %rem3A_96, %rem3A_97 : i32
    %dma_wait3A_99 = arith.constant 0 : i32
    %dma_wait3A_100 = arith.constant 0 : i32
    %dma_wait3A_101 = tpu.memref_slice %arg17[%rem3A_98, %dma_wait3A_99, %dma_wait3A_100] : memref<5x64x256xf32, #tpu.memory_space<vmem>> -> memref<1x64x256xf32, #tpu.memory_space<vmem>>
    %dma_wait3A_102 = tpu.memref_squeeze %dma_wait3A_101 : memref<1x64x256xf32, #tpu.memory_space<vmem>> -> memref<64x256xf32, #tpu.memory_space<vmem>>
    %dma_wait3A_103 = arith.constant 64 : i32
    %dma_wait3A_104 = tpu.memref_slice %arg13[%dma_wait3A_103] : memref<5120xi32, #tpu.memory_space<vmem>> -> memref<64xi32, #tpu.memory_space<vmem>>
    %dma_wait3A_105 = arith.constant 0 : i32
    %dma_wait3A_106 = arith.constant 0 : i32
    %dma_wait3A_107 = tpu.memref_slice %arg2[%dma_wait3A_105, %dma_wait3A_106] : memref<10000x256xf32, #tpu.memory_space<hbm>> -> memref<10000x256xf32, #tpu.memory_space<hbm>>
    %dma_wait3A_108 = tpu.memref_slice %arg19[%rem3A_98] : memref<5x!tpu.dma_semaphore, #tpu.memory_space<semaphore_mem>> -> memref<1x!tpu.dma_semaphore, #tpu.memory_space<semaphore_mem>>
    %dma_wait3A_109 = tpu.memref_squeeze %dma_wait3A_108 : memref<1x!tpu.dma_semaphore, #tpu.memory_space<semaphore_mem>> -> memref<!tpu.dma_semaphore, #tpu.memory_space<semaphore_mem>>
    tpu.wait_indirect_dma semaphore(%dma_wait3A_109 : memref<!tpu.dma_semaphore, #tpu.memory_space<semaphore_mem>>) src(%dma_wait3A_107 : memref<10000x256xf32, #tpu.memory_space<hbm>>) dst(%dma_wait3A_102 : memref<64x256xf32, #tpu.memory_space<vmem>>)
    %dma_start3A_110 = arith.constant 0 : i32
    %dma_start3A_111 = arith.constant 0 : i32
    %dma_start3A_112 = tpu.memref_slice %arg17[%rem3A_98, %dma_start3A_110, %dma_start3A_111] : memref<5x64x256xf32, #tpu.memory_space<vmem>> -> memref<1x64x256xf32, #tpu.memory_space<vmem>>
    %dma_start3A_113 = tpu.memref_squeeze %dma_start3A_112 : memref<1x64x256xf32, #tpu.memory_space<vmem>> -> memref<64x256xf32, #tpu.memory_space<vmem>>
    %dma_start3A_114 = arith.constant 64 : i32
    %dma_start3A_115 = tpu.memref_slice %arg14[%dma_start3A_114] : memref<5120xi32, #tpu.memory_space<vmem>> -> memref<64xi32, #tpu.memory_space<vmem>>
    %dma_start3A_116 = arith.constant 0 : i32
    %dma_start3A_117 = arith.constant 0 : i32
    %dma_start3A_118 = tpu.memref_slice %arg2[%dma_start3A_116, %dma_start3A_117] : memref<10000x256xf32, #tpu.memory_space<hbm>> -> memref<10000x256xf32, #tpu.memory_space<hbm>>
    %dma_start3A_119 = tpu.memref_slice %arg20[%rem3A_98] : memref<5x!tpu.dma_semaphore, #tpu.memory_space<semaphore_mem>> -> memref<1x!tpu.dma_semaphore, #tpu.memory_space<semaphore_mem>>
    %dma_start3A_120 = tpu.memref_squeeze %dma_start3A_119 : memref<1x!tpu.dma_semaphore, #tpu.memory_space<semaphore_mem>> -> memref<!tpu.dma_semaphore, #tpu.memory_space<semaphore_mem>>
    tpu.enqueue_indirect_dma source(%dma_start3A_118 : memref<10000x256xf32, #tpu.memory_space<hbm>>) target(%dma_start3A_113 : memref<64x256xf32, #tpu.memory_space<vmem>>) offsets(%dma_start3A_115 : memref<64xi32, #tpu.memory_space<vmem>>) semaphore(%dma_start3A_120 : memref<!tpu.dma_semaphore, #tpu.memory_space<semaphore_mem>>) {add = true}
    %scan3A = arith.constant 0 : i32
    %scan3A_121 = arith.constant 0 : i32
    %scan3A_122 = arith.constant 80 : i32
    %scan3A_123 = arith.addi %scan3A_121, %scan3A_122 : i32
    %scan3A_124 = arith.constant 1 : i32
    %scan3A_125 = scf.for %scan3A_127 = %scan3A_121 to %scan3A_123 step %scan3A_124 iter_args(%scan3A_128 = %scan3A) -> (i32)  : i32 {
      %rem3A_129 = arith.constant 5 : i32
      %rem3A_130 = arith.remsi %scan3A_127, %rem3A_129 : i32
      %add3A_131 = arith.constant 4 : i32
      %add3A_132 = arith.addi %scan3A_127, %add3A_131 : i32
      %lt3A = arith.constant 80 : i32
      %lt3A_133 = arith.cmpi slt, %add3A_132, %lt3A : i32
      %convert_element_type3A = arith.extui %lt3A_133 : i1 to i32
      %cond3A = arith.constant 0 : i32
      %cond3A_134 = arith.cmpi ne, %convert_element_type3A, %cond3A : i32
      scf.if %cond3A_134 {
        %add3A_577 = arith.constant 4 : i32
        %add3A_578 = arith.addi %scan3A_127, %add3A_577 : i32
        %mul3A_579 = arith.constant 64 : i32
        %mul3A_580 = arith.muli %add3A_578, %mul3A_579 : i32
        %rem3A_581 = arith.constant 5 : i32
        %rem3A_582 = arith.remsi %add3A_578, %rem3A_581 : i32
        %rem3A_583 = arith.constant 5 : i32
        %rem3A_584 = arith.remsi %add3A_578, %rem3A_583 : i32
        %dma_start3A_585 = arith.constant 0 : i32
        %dma_start3A_586 = arith.constant 0 : i32
        %dma_start3A_587 = tpu.memref_slice %arg17[%rem3A_582, %dma_start3A_585, %dma_start3A_586] : memref<5x64x256xf32, #tpu.memory_space<vmem>> -> memref<1x64x256xf32, #tpu.memory_space<vmem>>
        %dma_start3A_588 = tpu.memref_squeeze %dma_start3A_587 : memref<1x64x256xf32, #tpu.memory_space<vmem>> -> memref<64x256xf32, #tpu.memory_space<vmem>>
        %dma_start3A_589 = tpu.memref_slice %arg13[%mul3A_580] : memref<5120xi32, #tpu.memory_space<vmem>> -> memref<64xi32, #tpu.memory_space<vmem>>
        %dma_start3A_590 = arith.constant 0 : i32
        %dma_start3A_591 = arith.constant 0 : i32
        %dma_start3A_592 = tpu.memref_slice %arg2[%dma_start3A_590, %dma_start3A_591] : memref<10000x256xf32, #tpu.memory_space<hbm>> -> memref<10000x256xf32, #tpu.memory_space<hbm>>
        %dma_start3A_593 = tpu.memref_slice %arg19[%rem3A_584] : memref<5x!tpu.dma_semaphore, #tpu.memory_space<semaphore_mem>> -> memref<1x!tpu.dma_semaphore, #tpu.memory_space<semaphore_mem>>
        %dma_start3A_594 = tpu.memref_squeeze %dma_start3A_593 : memref<1x!tpu.dma_semaphore, #tpu.memory_space<semaphore_mem>> -> memref<!tpu.dma_semaphore, #tpu.memory_space<semaphore_mem>>
        tpu.enqueue_indirect_dma source(%dma_start3A_592 : memref<10000x256xf32, #tpu.memory_space<hbm>>) target(%dma_start3A_588 : memref<64x256xf32, #tpu.memory_space<vmem>>) offsets(%dma_start3A_589 : memref<64xi32, #tpu.memory_space<vmem>>) semaphore(%dma_start3A_594 : memref<!tpu.dma_semaphore, #tpu.memory_space<semaphore_mem>>)
      } else {
      }
      %add3A_135 = arith.constant 2 : i32
      %add3A_136 = arith.addi %scan3A_127, %add3A_135 : i32
      %lt3A_137 = arith.constant 80 : i32
      %lt3A_138 = arith.cmpi slt, %add3A_136, %lt3A_137 : i32
      %convert_element_type3A_139 = arith.extui %lt3A_138 : i1 to i32
      %cond3A_140 = arith.constant 0 : i32
      %cond3A_141 = arith.cmpi ne, %convert_element_type3A_139, %cond3A_140 : i32
      scf.if %cond3A_141 {
        %add3A_577 = arith.constant 2 : i32
        %add3A_578 = arith.addi %scan3A_127, %add3A_577 : i32
        %rem3A_579 = arith.constant 5 : i32
        %rem3A_580 = arith.remsi %add3A_578, %rem3A_579 : i32
        %mul3A_581 = arith.constant 64 : i32
        %mul3A_582 = arith.muli %add3A_578, %mul3A_581 : i32
        %dma_wait3A_583 = arith.constant 0 : i32
        %dma_wait3A_584 = arith.constant 0 : i32
        %dma_wait3A_585 = tpu.memref_slice %arg17[%rem3A_580, %dma_wait3A_583, %dma_wait3A_584] : memref<5x64x256xf32, #tpu.memory_space<vmem>> -> memref<1x64x256xf32, #tpu.memory_space<vmem>>
        %dma_wait3A_586 = tpu.memref_squeeze %dma_wait3A_585 : memref<1x64x256xf32, #tpu.memory_space<vmem>> -> memref<64x256xf32, #tpu.memory_space<vmem>>
        %dma_wait3A_587 = tpu.memref_slice %arg13[%mul3A_582] : memref<5120xi32, #tpu.memory_space<vmem>> -> memref<64xi32, #tpu.memory_space<vmem>>
        %dma_wait3A_588 = arith.constant 0 : i32
        %dma_wait3A_589 = arith.constant 0 : i32
        %dma_wait3A_590 = tpu.memref_slice %arg2[%dma_wait3A_588, %dma_wait3A_589] : memref<10000x256xf32, #tpu.memory_space<hbm>> -> memref<10000x256xf32, #tpu.memory_space<hbm>>
        %dma_wait3A_591 = tpu.memref_slice %arg19[%rem3A_580] : memref<5x!tpu.dma_semaphore, #tpu.memory_space<semaphore_mem>> -> memref<1x!tpu.dma_semaphore, #tpu.memory_space<semaphore_mem>>
        %dma_wait3A_592 = tpu.memref_squeeze %dma_wait3A_591 : memref<1x!tpu.dma_semaphore, #tpu.memory_space<semaphore_mem>> -> memref<!tpu.dma_semaphore, #tpu.memory_space<semaphore_mem>>
        tpu.wait_indirect_dma semaphore(%dma_wait3A_592 : memref<!tpu.dma_semaphore, #tpu.memory_space<semaphore_mem>>) src(%dma_wait3A_590 : memref<10000x256xf32, #tpu.memory_space<hbm>>) dst(%dma_wait3A_586 : memref<64x256xf32, #tpu.memory_space<vmem>>)
        %mul3A_593 = arith.constant 64 : i32
        %mul3A_594 = arith.muli %add3A_578, %mul3A_593 : i32
        %dma_start3A_595 = arith.constant 0 : i32
        %dma_start3A_596 = arith.constant 0 : i32
        %dma_start3A_597 = tpu.memref_slice %arg17[%rem3A_580, %dma_start3A_595, %dma_start3A_596] : memref<5x64x256xf32, #tpu.memory_space<vmem>> -> memref<1x64x256xf32, #tpu.memory_space<vmem>>
        %dma_start3A_598 = tpu.memref_squeeze %dma_start3A_597 : memref<1x64x256xf32, #tpu.memory_space<vmem>> -> memref<64x256xf32, #tpu.memory_space<vmem>>
        %dma_start3A_599 = tpu.memref_slice %arg14[%mul3A_594] : memref<5120xi32, #tpu.memory_space<vmem>> -> memref<64xi32, #tpu.memory_space<vmem>>
        %dma_start3A_600 = arith.constant 0 : i32
        %dma_start3A_601 = arith.constant 0 : i32
        %dma_start3A_602 = tpu.memref_slice %arg2[%dma_start3A_600, %dma_start3A_601] : memref<10000x256xf32, #tpu.memory_space<hbm>> -> memref<10000x256xf32, #tpu.memory_space<hbm>>
        %dma_start3A_603 = tpu.memref_slice %arg20[%rem3A_580] : memref<5x!tpu.dma_semaphore, #tpu.memory_space<semaphore_mem>> -> memref<1x!tpu.dma_semaphore, #tpu.memory_space<semaphore_mem>>
        %dma_start3A_604 = tpu.memref_squeeze %dma_start3A_603 : memref<1x!tpu.dma_semaphore, #tpu.memory_space<semaphore_mem>> -> memref<!tpu.dma_semaphore, #tpu.memory_space<semaphore_mem>>
        tpu.enqueue_indirect_dma source(%dma_start3A_602 : memref<10000x256xf32, #tpu.memory_space<hbm>>) target(%dma_start3A_598 : memref<64x256xf32, #tpu.memory_space<vmem>>) offsets(%dma_start3A_599 : memref<64xi32, #tpu.memory_space<vmem>>) semaphore(%dma_start3A_604 : memref<!tpu.dma_semaphore, #tpu.memory_space<semaphore_mem>>) {add = true}
      } else {
      }
      %mul3A_142 = arith.constant 64 : i32
      %mul3A_143 = arith.muli %scan3A_127, %mul3A_142 : i32
      %dma_wait3A_144 = arith.constant 0 : i32
      %dma_wait3A_145 = arith.constant 0 : i32
      %dma_wait3A_146 = tpu.memref_slice %arg17[%rem3A_130, %dma_wait3A_144, %dma_wait3A_145] : memref<5x64x256xf32, #tpu.memory_space<vmem>> -> memref<1x64x256xf32, #tpu.memory_space<vmem>>
      %dma_wait3A_147 = tpu.memref_squeeze %dma_wait3A_146 : memref<1x64x256xf32, #tpu.memory_space<vmem>> -> memref<64x256xf32, #tpu.memory_space<vmem>>
      %dma_wait3A_148 = tpu.memref_slice %arg14[%mul3A_143] : memref<5120xi32, #tpu.memory_space<vmem>> -> memref<64xi32, #tpu.memory_space<vmem>>
      %dma_wait3A_149 = arith.constant 0 : i32
      %dma_wait3A_150 = arith.constant 0 : i32
      %dma_wait3A_151 = tpu.memref_slice %arg2[%dma_wait3A_149, %dma_wait3A_150] : memref<10000x256xf32, #tpu.memory_space<hbm>> -> memref<10000x256xf32, #tpu.memory_space<hbm>>
      %dma_wait3A_152 = tpu.memref_slice %arg20[%rem3A_130] : memref<5x!tpu.dma_semaphore, #tpu.memory_space<semaphore_mem>> -> memref<1x!tpu.dma_semaphore, #tpu.memory_space<semaphore_mem>>
      %dma_wait3A_153 = tpu.memref_squeeze %dma_wait3A_152 : memref<1x!tpu.dma_semaphore, #tpu.memory_space<semaphore_mem>> -> memref<!tpu.dma_semaphore, #tpu.memory_space<semaphore_mem>>
      tpu.wait_indirect_dma semaphore(%dma_wait3A_153 : memref<!tpu.dma_semaphore, #tpu.memory_space<semaphore_mem>>) src(%dma_wait3A_151 : memref<10000x256xf32, #tpu.memory_space<hbm>>) dst(%dma_wait3A_147 : memref<64x256xf32, #tpu.memory_space<vmem>>)
      %parallel_loop3A = arith.constant 0 : i32
      %parallel_loop3A_154 = arith.constant 64 : i32
      %parallel_loop3A_155 = arith.constant 1 : i32
      scf.for %parallel_loop3A_577 = %parallel_loop3A to %parallel_loop3A_154 step %parallel_loop3A_155  : i32 {
        %parallel_loop3A_578 = arith.index_cast %rem3A_130 : i32 to index
        %parallel_loop3A_579 = arith.index_cast %parallel_loop3A_577 : i32 to index
        %parallel_loop3A_580 = arith.constant 0 : index
        %parallel_loop3A_581 = tpu.vector_load %arg17[%parallel_loop3A_578, %parallel_loop3A_579, %parallel_loop3A_580] {strides = array<i32>} : memref<5x64x256xf32, #tpu.memory_space<vmem>>, vector<16xf32>,
        %parallel_loop3A_582 = arith.mulf %parallel_loop3A_581, %parallel_loop3A_581 : vector<16xf32>
        %parallel_loop3A_583 = arith.index_cast %rem3A_130 : i32 to index
        %parallel_loop3A_584 = arith.index_cast %parallel_loop3A_577 : i32 to index
        %parallel_loop3A_585 = arith.constant 16 : index
        %parallel_loop3A_586 = tpu.vector_load %arg17[%parallel_loop3A_583, %parallel_loop3A_584, %parallel_loop3A_585] {strides = array<i32>} : memref<5x64x256xf32, #tpu.memory_space<vmem>>, vector<16xf32>,
        %parallel_loop3A_587 = arith.mulf %parallel_loop3A_586, %parallel_loop3A_586 : vector<16xf32>
        %parallel_loop3A_588 = arith.index_cast %rem3A_130 : i32 to index
        %parallel_loop3A_589 = arith.index_cast %parallel_loop3A_577 : i32 to index
        %parallel_loop3A_590 = arith.constant 32 : index
        %parallel_loop3A_591 = tpu.vector_load %arg17[%parallel_loop3A_588, %parallel_loop3A_589, %parallel_loop3A_590] {strides = array<i32>} : memref<5x64x256xf32, #tpu.memory_space<vmem>>, vector<16xf32>,
        %parallel_loop3A_592 = arith.mulf %parallel_loop3A_591, %parallel_loop3A_591 : vector<16xf32>
        %parallel_loop3A_593 = arith.index_cast %rem3A_130 : i32 to index
        %parallel_loop3A_594 = arith.index_cast %parallel_loop3A_577 : i32 to index
        %parallel_loop3A_595 = arith.constant 48 : index
        %parallel_loop3A_596 = tpu.vector_load %arg17[%parallel_loop3A_593, %parallel_loop3A_594, %parallel_loop3A_595] {strides = array<i32>} : memref<5x64x256xf32, #tpu.memory_space<vmem>>, vector<16xf32>,
        %parallel_loop3A_597 = arith.mulf %parallel_loop3A_596, %parallel_loop3A_596 : vector<16xf32>
        %parallel_loop3A_598 = arith.index_cast %rem3A_130 : i32 to index
        %parallel_loop3A_599 = arith.index_cast %parallel_loop3A_577 : i32 to index
        %parallel_loop3A_600 = arith.constant 64 : index
        %parallel_loop3A_601 = tpu.vector_load %arg17[%parallel_loop3A_598, %parallel_loop3A_599, %parallel_loop3A_600] {strides = array<i32>} : memref<5x64x256xf32, #tpu.memory_space<vmem>>, vector<16xf32>,
        %parallel_loop3A_602 = arith.mulf %parallel_loop3A_601, %parallel_loop3A_601 : vector<16xf32>
        %parallel_loop3A_603 = arith.addf %parallel_loop3A_582, %parallel_loop3A_602 : vector<16xf32>
        %parallel_loop3A_604 = arith.index_cast %rem3A_130 : i32 to index
        %parallel_loop3A_605 = arith.index_cast %parallel_loop3A_577 : i32 to index
        %parallel_loop3A_606 = arith.constant 80 : index
        %parallel_loop3A_607 = tpu.vector_load %arg17[%parallel_loop3A_604, %parallel_loop3A_605, %parallel_loop3A_606] {strides = array<i32>} : memref<5x64x256xf32, #tpu.memory_space<vmem>>, vector<16xf32>,
        %parallel_loop3A_608 = arith.mulf %parallel_loop3A_607, %parallel_loop3A_607 : vector<16xf32>
        %parallel_loop3A_609 = arith.addf %parallel_loop3A_587, %parallel_loop3A_608 : vector<16xf32>
        %parallel_loop3A_610 = arith.index_cast %rem3A_130 : i32 to index
        %parallel_loop3A_611 = arith.index_cast %parallel_loop3A_577 : i32 to index
        %parallel_loop3A_612 = arith.constant 96 : index
        %parallel_loop3A_613 = tpu.vector_load %arg17[%parallel_loop3A_610, %parallel_loop3A_611, %parallel_loop3A_612] {strides = array<i32>} : memref<5x64x256xf32, #tpu.memory_space<vmem>>, vector<16xf32>,
        %parallel_loop3A_614 = arith.mulf %parallel_loop3A_613, %parallel_loop3A_613 : vector<16xf32>
        %parallel_loop3A_615 = arith.addf %parallel_loop3A_592, %parallel_loop3A_614 : vector<16xf32>
        %parallel_loop3A_616 = arith.index_cast %rem3A_130 : i32 to index
        %parallel_loop3A_617 = arith.index_cast %parallel_loop3A_577 : i32 to index
        %parallel_loop3A_618 = arith.constant 112 : index
        %parallel_loop3A_619 = tpu.vector_load %arg17[%parallel_loop3A_616, %parallel_loop3A_617, %parallel_loop3A_618] {strides = array<i32>} : memref<5x64x256xf32, #tpu.memory_space<vmem>>, vector<16xf32>,
        %parallel_loop3A_620 = arith.mulf %parallel_loop3A_619, %parallel_loop3A_619 : vector<16xf32>
        %parallel_loop3A_621 = arith.addf %parallel_loop3A_597, %parallel_loop3A_620 : vector<16xf32>
        %parallel_loop3A_622 = arith.index_cast %rem3A_130 : i32 to index
        %parallel_loop3A_623 = arith.index_cast %parallel_loop3A_577 : i32 to index
        %parallel_loop3A_624 = arith.constant 128 : index
        %parallel_loop3A_625 = tpu.vector_load %arg17[%parallel_loop3A_622, %parallel_loop3A_623, %parallel_loop3A_624] {strides = array<i32>} : memref<5x64x256xf32, #tpu.memory_space<vmem>>, vector<16xf32>,
        %parallel_loop3A_626 = arith.mulf %parallel_loop3A_625, %parallel_loop3A_625 : vector<16xf32>
        %parallel_loop3A_627 = arith.addf %parallel_loop3A_603, %parallel_loop3A_626 : vector<16xf32>
        %parallel_loop3A_628 = arith.index_cast %rem3A_130 : i32 to index
        %parallel_loop3A_629 = arith.index_cast %parallel_loop3A_577 : i32 to index
        %parallel_loop3A_630 = arith.constant 144 : index
        %parallel_loop3A_631 = tpu.vector_load %arg17[%parallel_loop3A_628, %parallel_loop3A_629, %parallel_loop3A_630] {strides = array<i32>} : memref<5x64x256xf32, #tpu.memory_space<vmem>>, vector<16xf32>,
        %parallel_loop3A_632 = arith.mulf %parallel_loop3A_631, %parallel_loop3A_631 : vector<16xf32>
        %parallel_loop3A_633 = arith.addf %parallel_loop3A_609, %parallel_loop3A_632 : vector<16xf32>
        %parallel_loop3A_634 = arith.index_cast %rem3A_130 : i32 to index
        %parallel_loop3A_635 = arith.index_cast %parallel_loop3A_577 : i32 to index
        %parallel_loop3A_636 = arith.constant 160 : index
        %parallel_loop3A_637 = tpu.vector_load %arg17[%parallel_loop3A_634, %parallel_loop3A_635, %parallel_loop3A_636] {strides = array<i32>} : memref<5x64x256xf32, #tpu.memory_space<vmem>>, vector<16xf32>,
        %parallel_loop3A_638 = arith.mulf %parallel_loop3A_637, %parallel_loop3A_637 : vector<16xf32>
        %parallel_loop3A_639 = arith.addf %parallel_loop3A_615, %parallel_loop3A_638 : vector<16xf32>
        %parallel_loop3A_640 = arith.index_cast %rem3A_130 : i32 to index
        %parallel_loop3A_641 = arith.index_cast %parallel_loop3A_577 : i32 to index
        %parallel_loop3A_642 = arith.constant 176 : index
        %parallel_loop3A_643 = tpu.vector_load %arg17[%parallel_loop3A_640, %parallel_loop3A_641, %parallel_loop3A_642] {strides = array<i32>} : memref<5x64x256xf32, #tpu.memory_space<vmem>>, vector<16xf32>,
        %parallel_loop3A_644 = arith.mulf %parallel_loop3A_643, %parallel_loop3A_643 : vector<16xf32>
        %parallel_loop3A_645 = arith.addf %parallel_loop3A_621, %parallel_loop3A_644 : vector<16xf32>
        %parallel_loop3A_646 = arith.index_cast %rem3A_130 : i32 to index
        %parallel_loop3A_647 = arith.index_cast %parallel_loop3A_577 : i32 to index
        %parallel_loop3A_648 = arith.constant 192 : index
        %parallel_loop3A_649 = tpu.vector_load %arg17[%parallel_loop3A_646, %parallel_loop3A_647, %parallel_loop3A_648] {strides = array<i32>} : memref<5x64x256xf32, #tpu.memory_space<vmem>>, vector<16xf32>,
        %parallel_loop3A_650 = arith.mulf %parallel_loop3A_649, %parallel_loop3A_649 : vector<16xf32>
        %parallel_loop3A_651 = arith.addf %parallel_loop3A_627, %parallel_loop3A_650 : vector<16xf32>
        %parallel_loop3A_652 = arith.index_cast %rem3A_130 : i32 to index
        %parallel_loop3A_653 = arith.index_cast %parallel_loop3A_577 : i32 to index
        %parallel_loop3A_654 = arith.constant 208 : index
        %parallel_loop3A_655 = tpu.vector_load %arg17[%parallel_loop3A_652, %parallel_loop3A_653, %parallel_loop3A_654] {strides = array<i32>} : memref<5x64x256xf32, #tpu.memory_space<vmem>>, vector<16xf32>,
        %parallel_loop3A_656 = arith.mulf %parallel_loop3A_655, %parallel_loop3A_655 : vector<16xf32>
        %parallel_loop3A_657 = arith.addf %parallel_loop3A_633, %parallel_loop3A_656 : vector<16xf32>
        %parallel_loop3A_658 = arith.index_cast %rem3A_130 : i32 to index
        %parallel_loop3A_659 = arith.index_cast %parallel_loop3A_577 : i32 to index
        %parallel_loop3A_660 = arith.constant 224 : index
        %parallel_loop3A_661 = tpu.vector_load %arg17[%parallel_loop3A_658, %parallel_loop3A_659, %parallel_loop3A_660] {strides = array<i32>} : memref<5x64x256xf32, #tpu.memory_space<vmem>>, vector<16xf32>,
        %parallel_loop3A_662 = arith.mulf %parallel_loop3A_661, %parallel_loop3A_661 : vector<16xf32>
        %parallel_loop3A_663 = arith.addf %parallel_loop3A_639, %parallel_loop3A_662 : vector<16xf32>
        %parallel_loop3A_664 = arith.index_cast %rem3A_130 : i32 to index
        %parallel_loop3A_665 = arith.index_cast %parallel_loop3A_577 : i32 to index
        %parallel_loop3A_666 = arith.constant 240 : index
        %parallel_loop3A_667 = tpu.vector_load %arg17[%parallel_loop3A_664, %parallel_loop3A_665, %parallel_loop3A_666] {strides = array<i32>} : memref<5x64x256xf32, #tpu.memory_space<vmem>>, vector<16xf32>,
        %parallel_loop3A_668 = arith.mulf %parallel_loop3A_667, %parallel_loop3A_667 : vector<16xf32>
        %parallel_loop3A_669 = arith.addf %parallel_loop3A_645, %parallel_loop3A_668 : vector<16xf32>
        %parallel_loop3A_670 = arith.addf %parallel_loop3A_651, %parallel_loop3A_657 : vector<16xf32>
        %parallel_loop3A_671 = arith.addf %parallel_loop3A_663, %parallel_loop3A_669 : vector<16xf32>
        %parallel_loop3A_672 = arith.addf %parallel_loop3A_670, %parallel_loop3A_671 : vector<16xf32>
        %parallel_loop3A_673 = arith.constant 64 : i32
        %parallel_loop3A_674 = vector.broadcast %parallel_loop3A_673 : i32 to vector<16xi32>
        %parallel_loop3A_675 = arith.muli %iota3A, %parallel_loop3A_674 : vector<16xi32>
        %parallel_loop3A_676 = vector.broadcast %parallel_loop3A_577 : i32 to vector<16xi32>
        %parallel_loop3A_677 = arith.addi %parallel_loop3A_675, %parallel_loop3A_676 : vector<16xi32>
        tpu.vector_store_idx %arg18[%parallel_loop3A_677], %parallel_loop3A_672 : memref<1024xf32, #tpu.memory_space<vmem>>[vector<16xi32>], vector<16xf32>,
      } {sc.loop_unroll_factor = 2 : i64, sc.parallel_access}
      %get3A_156 = arith.constant 0 : index
      %get3A_157 = tpu.vector_load %arg18[%get3A_156] {strides = array<i32>} : memref<1024xf32, #tpu.memory_space<vmem>>, vector<16xf32>,
      %get3A_158 = arith.constant 64 : index
      %get3A_159 = tpu.vector_load %arg18[%get3A_158] {strides = array<i32>} : memref<1024xf32, #tpu.memory_space<vmem>>, vector<16xf32>,
      %get3A_160 = arith.constant 128 : index
      %get3A_161 = tpu.vector_load %arg18[%get3A_160] {strides = array<i32>} : memref<1024xf32, #tpu.memory_space<vmem>>, vector<16xf32>,
      %get3A_162 = arith.constant 192 : index
      %get3A_163 = tpu.vector_load %arg18[%get3A_162] {strides = array<i32>} : memref<1024xf32, #tpu.memory_space<vmem>>, vector<16xf32>,
      %get3A_164 = arith.constant 256 : index
      %get3A_165 = tpu.vector_load %arg18[%get3A_164] {strides = array<i32>} : memref<1024xf32, #tpu.memory_space<vmem>>, vector<16xf32>,
      %get3A_166 = arith.constant 320 : index
      %get3A_167 = tpu.vector_load %arg18[%get3A_166] {strides = array<i32>} : memref<1024xf32, #tpu.memory_space<vmem>>, vector<16xf32>,
      %get3A_168 = arith.constant 384 : index
      %get3A_169 = tpu.vector_load %arg18[%get3A_168] {strides = array<i32>} : memref<1024xf32, #tpu.memory_space<vmem>>, vector<16xf32>,
      %get3A_170 = arith.constant 448 : index
      %get3A_171 = tpu.vector_load %arg18[%get3A_170] {strides = array<i32>} : memref<1024xf32, #tpu.memory_space<vmem>>, vector<16xf32>,
      %get3A_172 = arith.constant 512 : index
      %get3A_173 = tpu.vector_load %arg18[%get3A_172] {strides = array<i32>} : memref<1024xf32, #tpu.memory_space<vmem>>, vector<16xf32>,
      %get3A_174 = arith.constant 576 : index
      %get3A_175 = tpu.vector_load %arg18[%get3A_174] {strides = array<i32>} : memref<1024xf32, #tpu.memory_space<vmem>>, vector<16xf32>,
      %get3A_176 = arith.constant 640 : index
      %get3A_177 = tpu.vector_load %arg18[%get3A_176] {strides = array<i32>} : memref<1024xf32, #tpu.memory_space<vmem>>, vector<16xf32>,
      %get3A_178 = arith.constant 704 : index
      %get3A_179 = tpu.vector_load %arg18[%get3A_178] {strides = array<i32>} : memref<1024xf32, #tpu.memory_space<vmem>>, vector<16xf32>,
      %get3A_180 = arith.constant 768 : index
      %get3A_181 = tpu.vector_load %arg18[%get3A_180] {strides = array<i32>} : memref<1024xf32, #tpu.memory_space<vmem>>, vector<16xf32>,
      %get3A_182 = arith.constant 832 : index
      %get3A_183 = tpu.vector_load %arg18[%get3A_182] {strides = array<i32>} : memref<1024xf32, #tpu.memory_space<vmem>>, vector<16xf32>,
      %get3A_184 = arith.constant 896 : index
      %get3A_185 = tpu.vector_load %arg18[%get3A_184] {strides = array<i32>} : memref<1024xf32, #tpu.memory_space<vmem>>, vector<16xf32>,
      %get3A_186 = arith.constant 960 : index
      %get3A_187 = tpu.vector_load %arg18[%get3A_186] {strides = array<i32>} : memref<1024xf32, #tpu.memory_space<vmem>>, vector<16xf32>,
      %add3A_188 = arith.addf %get3A_157, %get3A_159 : vector<16xf32>
      %add3A_189 = arith.addf %get3A_161, %get3A_163 : vector<16xf32>
      %add3A_190 = arith.addf %get3A_165, %get3A_167 : vector<16xf32>
      %add3A_191 = arith.addf %get3A_169, %get3A_171 : vector<16xf32>
      %add3A_192 = arith.addf %get3A_173, %get3A_175 : vector<16xf32>
      %add3A_193 = arith.addf %get3A_177, %get3A_179 : vector<16xf32>
      %add3A_194 = arith.addf %get3A_181, %get3A_183 : vector<16xf32>
      %add3A_195 = arith.addf %get3A_185, %get3A_187 : vector<16xf32>
      %add3A_196 = arith.addf %add3A_188, %add3A_189 : vector<16xf32>
      %add3A_197 = arith.addf %add3A_190, %add3A_191 : vector<16xf32>
      %add3A_198 = arith.addf %add3A_192, %add3A_193 : vector<16xf32>
      %add3A_199 = arith.addf %add3A_194, %add3A_195 : vector<16xf32>
      %add3A_200 = arith.addf %add3A_196, %add3A_197 : vector<16xf32>
      %add3A_201 = arith.addf %add3A_198, %add3A_199 : vector<16xf32>
      %add3A_202 = arith.addf %add3A_200, %add3A_201 : vector<16xf32>
      %mul3A_203 = arith.constant 64 : i32
      %mul3A_204 = arith.muli %scan3A_127, %mul3A_203 : i32
      %add3A_205 = arith.constant 0 : i32
      %add3A_206 = arith.addi %mul3A_204, %add3A_205 : i32
      %get3A_207 = arith.index_cast %add3A_206 : i32 to index
      %get3A_208 = tpu.vector_load %arg13[%get3A_207] {strides = array<i32>} : memref<5120xi32, #tpu.memory_space<vmem>>, vector<16xi32>,
      %mul3A_209 = arith.constant 64 : i32
      %mul3A_210 = arith.muli %scan3A_127, %mul3A_209 : i32
      %add3A_211 = arith.constant 0 : i32
      %add3A_212 = arith.addi %mul3A_210, %add3A_211 : i32
      %get3A_213 = arith.index_cast %add3A_212 : i32 to index
      %get3A_214 = tpu.vector_load %arg14[%get3A_213] {strides = array<i32>} : memref<5120xi32, #tpu.memory_space<vmem>>, vector<16xi32>,
      %gather3A = tpu.vector_load_idx %arg11[%get3A_208] : memref<10000xf32, #tpu.memory_space<vmem>>[vector<16xi32>], vector<16xf32>,
      %sub3A = arith.subf %add3A_202, %gather3A : vector<16xf32>
      %gather3A_215 = tpu.vector_load_idx %arg11[%get3A_214] : memref<10000xf32, #tpu.memory_space<vmem>>[vector<16xi32>], vector<16xf32>,
      %sub3A_216 = arith.subf %sub3A, %gather3A_215 : vector<16xf32>
      %mul3A_217 = arith.constant 5.000000e-01 : f32
      %mul3A_218 = vector.broadcast %mul3A_217 : f32 to vector<16xf32>
      %mul3A_219 = arith.mulf %mul3A_218, %sub3A_216 : vector<16xf32>
      %gather3A_220 = tpu.vector_load_idx %arg10[%get3A_208] : memref<10000xf32, #tpu.memory_space<vmem>>[vector<16xi32>], vector<16xf32>,
      %gather3A_221 = tpu.vector_load_idx %arg10[%get3A_214] : memref<10000xf32, #tpu.memory_space<vmem>>[vector<16xi32>], vector<16xf32>,
      %add3A_222 = arith.addf %gather3A_220, %gather3A_221 : vector<16xf32>
      %mul3A_223 = arith.constant 64 : i32
      %mul3A_224 = arith.muli %scan3A_127, %mul3A_223 : i32
      %add3A_225 = arith.constant 0 : i32
      %add3A_226 = arith.addi %mul3A_224, %add3A_225 : i32
      %get3A_227 = arith.index_cast %add3A_226 : i32 to index
      %get3A_228 = tpu.vector_load %arg15[%get3A_227] {strides = array<i32>} : memref<5120xf32, #tpu.memory_space<vmem>>, vector<16xf32>,
      %add3A_229 = arith.addf %mul3A_219, %get3A_228 : vector<16xf32>
      %mul3A_230 = arith.mulf %add3A_229, %get3A_5 : vector<16xf32>
      %ge3A = arith.constant 0.000000e+00 : f32
      %ge3A_231 = vector.broadcast %ge3A : f32 to vector<16xf32>
      %ge3A_232 = arith.cmpf oge, %mul3A_230, %ge3A_231 : vector<16xf32>
      %neg3A = arith.constant 0.000000e+00 : f32
      %neg3A_233 = vector.broadcast %neg3A : f32 to vector<16xf32>
      %neg3A_234 = arith.subf %neg3A_233, %mul3A_219 : vector<16xf32>
      %exp3A = math.exp %neg3A_234 : vector<16xf32>
      %add3A_235 = arith.constant 1.000000e+00 : f32
      %add3A_236 = vector.broadcast %add3A_235 : f32 to vector<16xf32>
      %add3A_237 = arith.addf %add3A_236, %exp3A : vector<16xf32>
      %div3A = arith.constant 1.000000e+00 : f32
      %div3A_238 = vector.broadcast %div3A : f32 to vector<16xf32>
      %div3A_239 = arith.divf %div3A_238, %add3A_237 : vector<16xf32>
      %neg3A_240 = arith.constant 0.000000e+00 : f32
      %neg3A_241 = vector.broadcast %neg3A_240 : f32 to vector<16xf32>
      %neg3A_242 = arith.subf %neg3A_241, %add3A_222 : vector<16xf32>
      %exp3A_243 = math.exp %neg3A_242 : vector<16xf32>
      %add3A_244 = arith.constant 1.000000e+00 : f32
      %add3A_245 = vector.broadcast %add3A_244 : f32 to vector<16xf32>
      %add3A_246 = arith.addf %add3A_245, %exp3A_243 : vector<16xf32>
      %div3A_247 = arith.constant 1.000000e+00 : f32
      %div3A_248 = vector.broadcast %div3A_247 : f32 to vector<16xf32>
      %div3A_249 = arith.divf %div3A_248, %add3A_246 : vector<16xf32>
      %select_n3A = arith.select %ge3A_232, %div3A_239, %div3A_249 : vector<16xi1>, vector<16xf32>
      %mul3A_250 = arith.constant 64 : i32
      %mul3A_251 = arith.muli %scan3A_127, %mul3A_250 : i32
      %add3A_252 = arith.constant 0 : i32
      %add3A_253 = arith.addi %mul3A_251, %add3A_252 : i32
      %swap3A = arith.index_cast %add3A_253 : i32 to index
      %swap3A_254 = tpu.vector_load %arg16[%swap3A] {strides = array<i32>} : memref<5120xf32, #tpu.memory_space<vmem>>, vector<16xf32>,
      tpu.vector_store %arg16[%swap3A], %select_n3A {strides = array<i32>} : memref<5120xf32, #tpu.memory_space<vmem>>, vector<16xf32>,
      %get3A_255 = arith.constant 16 : index
      %get3A_256 = tpu.vector_load %arg18[%get3A_255] {strides = array<i32>} : memref<1024xf32, #tpu.memory_space<vmem>>, vector<16xf32>,
      %get3A_257 = arith.constant 80 : index
      %get3A_258 = tpu.vector_load %arg18[%get3A_257] {strides = array<i32>} : memref<1024xf32, #tpu.memory_space<vmem>>, vector<16xf32>,
      %get3A_259 = arith.constant 144 : index
      %get3A_260 = tpu.vector_load %arg18[%get3A_259] {strides = array<i32>} : memref<1024xf32, #tpu.memory_space<vmem>>, vector<16xf32>,
      %get3A_261 = arith.constant 208 : index
      %get3A_262 = tpu.vector_load %arg18[%get3A_261] {strides = array<i32>} : memref<1024xf32, #tpu.memory_space<vmem>>, vector<16xf32>,
      %get3A_263 = arith.constant 272 : index
      %get3A_264 = tpu.vector_load %arg18[%get3A_263] {strides = array<i32>} : memref<1024xf32, #tpu.memory_space<vmem>>, vector<16xf32>,
      %get3A_265 = arith.constant 336 : index
      %get3A_266 = tpu.vector_load %arg18[%get3A_265] {strides = array<i32>} : memref<1024xf32, #tpu.memory_space<vmem>>, vector<16xf32>,
      %get3A_267 = arith.constant 400 : index
      %get3A_268 = tpu.vector_load %arg18[%get3A_267] {strides = array<i32>} : memref<1024xf32, #tpu.memory_space<vmem>>, vector<16xf32>,
      %get3A_269 = arith.constant 464 : index
      %get3A_270 = tpu.vector_load %arg18[%get3A_269] {strides = array<i32>} : memref<1024xf32, #tpu.memory_space<vmem>>, vector<16xf32>,
      %get3A_271 = arith.constant 528 : index
      %get3A_272 = tpu.vector_load %arg18[%get3A_271] {strides = array<i32>} : memref<1024xf32, #tpu.memory_space<vmem>>, vector<16xf32>,
      %get3A_273 = arith.constant 592 : index
      %get3A_274 = tpu.vector_load %arg18[%get3A_273] {strides = array<i32>} : memref<1024xf32, #tpu.memory_space<vmem>>, vector<16xf32>,
      %get3A_275 = arith.constant 656 : index
      %get3A_276 = tpu.vector_load %arg18[%get3A_275] {strides = array<i32>} : memref<1024xf32, #tpu.memory_space<vmem>>, vector<16xf32>,
      %get3A_277 = arith.constant 720 : index
      %get3A_278 = tpu.vector_load %arg18[%get3A_277] {strides = array<i32>} : memref<1024xf32, #tpu.memory_space<vmem>>, vector<16xf32>,
      %get3A_279 = arith.constant 784 : index
      %get3A_280 = tpu.vector_load %arg18[%get3A_279] {strides = array<i32>} : memref<1024xf32, #tpu.memory_space<vmem>>, vector<16xf32>,
      %get3A_281 = arith.constant 848 : index
      %get3A_282 = tpu.vector_load %arg18[%get3A_281] {strides = array<i32>} : memref<1024xf32, #tpu.memory_space<vmem>>, vector<16xf32>,
      %get3A_283 = arith.constant 912 : index
      %get3A_284 = tpu.vector_load %arg18[%get3A_283] {strides = array<i32>} : memref<1024xf32, #tpu.memory_space<vmem>>, vector<16xf32>,
      %get3A_285 = arith.constant 976 : index
      %get3A_286 = tpu.vector_load %arg18[%get3A_285] {strides = array<i32>} : memref<1024xf32, #tpu.memory_space<vmem>>, vector<16xf32>,
      %add3A_287 = arith.addf %get3A_256, %get3A_258 : vector<16xf32>
      %add3A_288 = arith.addf %get3A_260, %get3A_262 : vector<16xf32>
      %add3A_289 = arith.addf %get3A_264, %get3A_266 : vector<16xf32>
      %add3A_290 = arith.addf %get3A_268, %get3A_270 : vector<16xf32>
      %add3A_291 = arith.addf %get3A_272, %get3A_274 : vector<16xf32>
      %add3A_292 = arith.addf %get3A_276, %get3A_278 : vector<16xf32>
      %add3A_293 = arith.addf %get3A_280, %get3A_282 : vector<16xf32>
      %add3A_294 = arith.addf %get3A_284, %get3A_286 : vector<16xf32>
      %add3A_295 = arith.addf %add3A_287, %add3A_288 : vector<16xf32>
      %add3A_296 = arith.addf %add3A_289, %add3A_290 : vector<16xf32>
      %add3A_297 = arith.addf %add3A_291, %add3A_292 : vector<16xf32>
      %add3A_298 = arith.addf %add3A_293, %add3A_294 : vector<16xf32>
      %add3A_299 = arith.addf %add3A_295, %add3A_296 : vector<16xf32>
      %add3A_300 = arith.addf %add3A_297, %add3A_298 : vector<16xf32>
      %add3A_301 = arith.addf %add3A_299, %add3A_300 : vector<16xf32>
      %mul3A_302 = arith.constant 64 : i32
      %mul3A_303 = arith.muli %scan3A_127, %mul3A_302 : i32
      %add3A_304 = arith.constant 16 : i32
      %add3A_305 = arith.addi %mul3A_303, %add3A_304 : i32
      %get3A_306 = arith.index_cast %add3A_305 : i32 to index
      %get3A_307 = tpu.vector_load %arg13[%get3A_306] {strides = array<i32>} : memref<5120xi32, #tpu.memory_space<vmem>>, vector<16xi32>,
      %mul3A_308 = arith.constant 64 : i32
      %mul3A_309 = arith.muli %scan3A_127, %mul3A_308 : i32
      %add3A_310 = arith.constant 16 : i32
      %add3A_311 = arith.addi %mul3A_309, %add3A_310 : i32
      %get3A_312 = arith.index_cast %add3A_311 : i32 to index
      %get3A_313 = tpu.vector_load %arg14[%get3A_312] {strides = array<i32>} : memref<5120xi32, #tpu.memory_space<vmem>>, vector<16xi32>,
      %gather3A_314 = tpu.vector_load_idx %arg11[%get3A_307] : memref<10000xf32, #tpu.memory_space<vmem>>[vector<16xi32>], vector<16xf32>,
      %sub3A_315 = arith.subf %add3A_301, %gather3A_314 : vector<16xf32>
      %gather3A_316 = tpu.vector_load_idx %arg11[%get3A_313] : memref<10000xf32, #tpu.memory_space<vmem>>[vector<16xi32>], vector<16xf32>,
      %sub3A_317 = arith.subf %sub3A_315, %gather3A_316 : vector<16xf32>
      %mul3A_318 = arith.constant 5.000000e-01 : f32
      %mul3A_319 = vector.broadcast %mul3A_318 : f32 to vector<16xf32>
      %mul3A_320 = arith.mulf %mul3A_319, %sub3A_317 : vector<16xf32>
      %gather3A_321 = tpu.vector_load_idx %arg10[%get3A_307] : memref<10000xf32, #tpu.memory_space<vmem>>[vector<16xi32>], vector<16xf32>,
      %gather3A_322 = tpu.vector_load_idx %arg10[%get3A_313] : memref<10000xf32, #tpu.memory_space<vmem>>[vector<16xi32>], vector<16xf32>,
      %add3A_323 = arith.addf %gather3A_321, %gather3A_322 : vector<16xf32>
      %mul3A_324 = arith.constant 64 : i32
      %mul3A_325 = arith.muli %scan3A_127, %mul3A_324 : i32
      %add3A_326 = arith.constant 16 : i32
      %add3A_327 = arith.addi %mul3A_325, %add3A_326 : i32
      %get3A_328 = arith.index_cast %add3A_327 : i32 to index
      %get3A_329 = tpu.vector_load %arg15[%get3A_328] {strides = array<i32>} : memref<5120xf32, #tpu.memory_space<vmem>>, vector<16xf32>,
      %add3A_330 = arith.addf %mul3A_320, %get3A_329 : vector<16xf32>
      %mul3A_331 = arith.mulf %add3A_330, %get3A_5 : vector<16xf32>
      %ge3A_332 = arith.constant 0.000000e+00 : f32
      %ge3A_333 = vector.broadcast %ge3A_332 : f32 to vector<16xf32>
      %ge3A_334 = arith.cmpf oge, %mul3A_331, %ge3A_333 : vector<16xf32>
      %neg3A_335 = arith.constant 0.000000e+00 : f32
      %neg3A_336 = vector.broadcast %neg3A_335 : f32 to vector<16xf32>
      %neg3A_337 = arith.subf %neg3A_336, %mul3A_320 : vector<16xf32>
      %exp3A_338 = math.exp %neg3A_337 : vector<16xf32>
      %add3A_339 = arith.constant 1.000000e+00 : f32
      %add3A_340 = vector.broadcast %add3A_339 : f32 to vector<16xf32>
      %add3A_341 = arith.addf %add3A_340, %exp3A_338 : vector<16xf32>
      %div3A_342 = arith.constant 1.000000e+00 : f32
      %div3A_343 = vector.broadcast %div3A_342 : f32 to vector<16xf32>
      %div3A_344 = arith.divf %div3A_343, %add3A_341 : vector<16xf32>
      %neg3A_345 = arith.constant 0.000000e+00 : f32
      %neg3A_346 = vector.broadcast %neg3A_345 : f32 to vector<16xf32>
      %neg3A_347 = arith.subf %neg3A_346, %add3A_323 : vector<16xf32>
      %exp3A_348 = math.exp %neg3A_347 : vector<16xf32>
      %add3A_349 = arith.constant 1.000000e+00 : f32
      %add3A_350 = vector.broadcast %add3A_349 : f32 to vector<16xf32>
      %add3A_351 = arith.addf %add3A_350, %exp3A_348 : vector<16xf32>
      %div3A_352 = arith.constant 1.000000e+00 : f32
      %div3A_353 = vector.broadcast %div3A_352 : f32 to vector<16xf32>
      %div3A_354 = arith.divf %div3A_353, %add3A_351 : vector<16xf32>
      %select_n3A_355 = arith.select %ge3A_334, %div3A_344, %div3A_354 : vector<16xi1>, vector<16xf32>
      %mul3A_356 = arith.constant 64 : i32
      %mul3A_357 = arith.muli %scan3A_127, %mul3A_356 : i32
      %add3A_358 = arith.constant 16 : i32
      %add3A_359 = arith.addi %mul3A_357, %add3A_358 : i32
      %swap3A_360 = arith.index_cast %add3A_359 : i32 to index
      %swap3A_361 = tpu.vector_load %arg16[%swap3A_360] {strides = array<i32>} : memref<5120xf32, #tpu.memory_space<vmem>>, vector<16xf32>,
      tpu.vector_store %arg16[%swap3A_360], %select_n3A_355 {strides = array<i32>} : memref<5120xf32, #tpu.memory_space<vmem>>, vector<16xf32>,
      %get3A_362 = arith.constant 32 : index
      %get3A_363 = tpu.vector_load %arg18[%get3A_362] {strides = array<i32>} : memref<1024xf32, #tpu.memory_space<vmem>>, vector<16xf32>,
      %get3A_364 = arith.constant 96 : index
      %get3A_365 = tpu.vector_load %arg18[%get3A_364] {strides = array<i32>} : memref<1024xf32, #tpu.memory_space<vmem>>, vector<16xf32>,
      %get3A_366 = arith.constant 160 : index
      %get3A_367 = tpu.vector_load %arg18[%get3A_366] {strides = array<i32>} : memref<1024xf32, #tpu.memory_space<vmem>>, vector<16xf32>,
      %get3A_368 = arith.constant 224 : index
      %get3A_369 = tpu.vector_load %arg18[%get3A_368] {strides = array<i32>} : memref<1024xf32, #tpu.memory_space<vmem>>, vector<16xf32>,
      %get3A_370 = arith.constant 288 : index
      %get3A_371 = tpu.vector_load %arg18[%get3A_370] {strides = array<i32>} : memref<1024xf32, #tpu.memory_space<vmem>>, vector<16xf32>,
      %get3A_372 = arith.constant 352 : index
      %get3A_373 = tpu.vector_load %arg18[%get3A_372] {strides = array<i32>} : memref<1024xf32, #tpu.memory_space<vmem>>, vector<16xf32>,
      %get3A_374 = arith.constant 416 : index
      %get3A_375 = tpu.vector_load %arg18[%get3A_374] {strides = array<i32>} : memref<1024xf32, #tpu.memory_space<vmem>>, vector<16xf32>,
      %get3A_376 = arith.constant 480 : index
      %get3A_377 = tpu.vector_load %arg18[%get3A_376] {strides = array<i32>} : memref<1024xf32, #tpu.memory_space<vmem>>, vector<16xf32>,
      %get3A_378 = arith.constant 544 : index
      %get3A_379 = tpu.vector_load %arg18[%get3A_378] {strides = array<i32>} : memref<1024xf32, #tpu.memory_space<vmem>>, vector<16xf32>,
      %get3A_380 = arith.constant 608 : index
      %get3A_381 = tpu.vector_load %arg18[%get3A_380] {strides = array<i32>} : memref<1024xf32, #tpu.memory_space<vmem>>, vector<16xf32>,
      %get3A_382 = arith.constant 672 : index
      %get3A_383 = tpu.vector_load %arg18[%get3A_382] {strides = array<i32>} : memref<1024xf32, #tpu.memory_space<vmem>>, vector<16xf32>,
      %get3A_384 = arith.constant 736 : index
      %get3A_385 = tpu.vector_load %arg18[%get3A_384] {strides = array<i32>} : memref<1024xf32, #tpu.memory_space<vmem>>, vector<16xf32>,
      %get3A_386 = arith.constant 800 : index
      %get3A_387 = tpu.vector_load %arg18[%get3A_386] {strides = array<i32>} : memref<1024xf32, #tpu.memory_space<vmem>>, vector<16xf32>,
      %get3A_388 = arith.constant 864 : index
      %get3A_389 = tpu.vector_load %arg18[%get3A_388] {strides = array<i32>} : memref<1024xf32, #tpu.memory_space<vmem>>, vector<16xf32>,
      %get3A_390 = arith.constant 928 : index
      %get3A_391 = tpu.vector_load %arg18[%get3A_390] {strides = array<i32>} : memref<1024xf32, #tpu.memory_space<vmem>>, vector<16xf32>,
      %get3A_392 = arith.constant 992 : index
      %get3A_393 = tpu.vector_load %arg18[%get3A_392] {strides = array<i32>} : memref<1024xf32, #tpu.memory_space<vmem>>, vector<16xf32>,
      %add3A_394 = arith.addf %get3A_363, %get3A_365 : vector<16xf32>
      %add3A_395 = arith.addf %get3A_367, %get3A_369 : vector<16xf32>
      %add3A_396 = arith.addf %get3A_371, %get3A_373 : vector<16xf32>
      %add3A_397 = arith.addf %get3A_375, %get3A_377 : vector<16xf32>
      %add3A_398 = arith.addf %get3A_379, %get3A_381 : vector<16xf32>
      %add3A_399 = arith.addf %get3A_383, %get3A_385 : vector<16xf32>
      %add3A_400 = arith.addf %get3A_387, %get3A_389 : vector<16xf32>
      %add3A_401 = arith.addf %get3A_391, %get3A_393 : vector<16xf32>
      %add3A_402 = arith.addf %add3A_394, %add3A_395 : vector<16xf32>
      %add3A_403 = arith.addf %add3A_396, %add3A_397 : vector<16xf32>
      %add3A_404 = arith.addf %add3A_398, %add3A_399 : vector<16xf32>
      %add3A_405 = arith.addf %add3A_400, %add3A_401 : vector<16xf32>
      %add3A_406 = arith.addf %add3A_402, %add3A_403 : vector<16xf32>
      %add3A_407 = arith.addf %add3A_404, %add3A_405 : vector<16xf32>
      %add3A_408 = arith.addf %add3A_406, %add3A_407 : vector<16xf32>
      %mul3A_409 = arith.constant 64 : i32
      %mul3A_410 = arith.muli %scan3A_127, %mul3A_409 : i32
      %add3A_411 = arith.constant 32 : i32
      %add3A_412 = arith.addi %mul3A_410, %add3A_411 : i32
      %get3A_413 = arith.index_cast %add3A_412 : i32 to index
      %get3A_414 = tpu.vector_load %arg13[%get3A_413] {strides = array<i32>} : memref<5120xi32, #tpu.memory_space<vmem>>, vector<16xi32>,
      %mul3A_415 = arith.constant 64 : i32
      %mul3A_416 = arith.muli %scan3A_127, %mul3A_415 : i32
      %add3A_417 = arith.constant 32 : i32
      %add3A_418 = arith.addi %mul3A_416, %add3A_417 : i32
      %get3A_419 = arith.index_cast %add3A_418 : i32 to index
      %get3A_420 = tpu.vector_load %arg14[%get3A_419] {strides = array<i32>} : memref<5120xi32, #tpu.memory_space<vmem>>, vector<16xi32>,
      %gather3A_421 = tpu.vector_load_idx %arg11[%get3A_414] : memref<10000xf32, #tpu.memory_space<vmem>>[vector<16xi32>], vector<16xf32>,
      %sub3A_422 = arith.subf %add3A_408, %gather3A_421 : vector<16xf32>
      %gather3A_423 = tpu.vector_load_idx %arg11[%get3A_420] : memref<10000xf32, #tpu.memory_space<vmem>>[vector<16xi32>], vector<16xf32>,
      %sub3A_424 = arith.subf %sub3A_422, %gather3A_423 : vector<16xf32>
      %mul3A_425 = arith.constant 5.000000e-01 : f32
      %mul3A_426 = vector.broadcast %mul3A_425 : f32 to vector<16xf32>
      %mul3A_427 = arith.mulf %mul3A_426, %sub3A_424 : vector<16xf32>
      %gather3A_428 = tpu.vector_load_idx %arg10[%get3A_414] : memref<10000xf32, #tpu.memory_space<vmem>>[vector<16xi32>], vector<16xf32>,
      %gather3A_429 = tpu.vector_load_idx %arg10[%get3A_420] : memref<10000xf32, #tpu.memory_space<vmem>>[vector<16xi32>], vector<16xf32>,
      %add3A_430 = arith.addf %gather3A_428, %gather3A_429 : vector<16xf32>
      %mul3A_431 = arith.constant 64 : i32
      %mul3A_432 = arith.muli %scan3A_127, %mul3A_431 : i32
      %add3A_433 = arith.constant 32 : i32
      %add3A_434 = arith.addi %mul3A_432, %add3A_433 : i32
      %get3A_435 = arith.index_cast %add3A_434 : i32 to index
      %get3A_436 = tpu.vector_load %arg15[%get3A_435] {strides = array<i32>} : memref<5120xf32, #tpu.memory_space<vmem>>, vector<16xf32>,
      %add3A_437 = arith.addf %mul3A_427, %get3A_436 : vector<16xf32>
      %mul3A_438 = arith.mulf %add3A_437, %get3A_5 : vector<16xf32>
      %ge3A_439 = arith.constant 0.000000e+00 : f32
      %ge3A_440 = vector.broadcast %ge3A_439 : f32 to vector<16xf32>
      %ge3A_441 = arith.cmpf oge, %mul3A_438, %ge3A_440 : vector<16xf32>
      %neg3A_442 = arith.constant 0.000000e+00 : f32
      %neg3A_443 = vector.broadcast %neg3A_442 : f32 to vector<16xf32>
      %neg3A_444 = arith.subf %neg3A_443, %mul3A_427 : vector<16xf32>
      %exp3A_445 = math.exp %neg3A_444 : vector<16xf32>
      %add3A_446 = arith.constant 1.000000e+00 : f32
      %add3A_447 = vector.broadcast %add3A_446 : f32 to vector<16xf32>
      %add3A_448 = arith.addf %add3A_447, %exp3A_445 : vector<16xf32>
      %div3A_449 = arith.constant 1.000000e+00 : f32
      %div3A_450 = vector.broadcast %div3A_449 : f32 to vector<16xf32>
      %div3A_451 = arith.divf %div3A_450, %add3A_448 : vector<16xf32>
      %neg3A_452 = arith.constant 0.000000e+00 : f32
      %neg3A_453 = vector.broadcast %neg3A_452 : f32 to vector<16xf32>
      %neg3A_454 = arith.subf %neg3A_453, %add3A_430 : vector<16xf32>
      %exp3A_455 = math.exp %neg3A_454 : vector<16xf32>
      %add3A_456 = arith.constant 1.000000e+00 : f32
      %add3A_457 = vector.broadcast %add3A_456 : f32 to vector<16xf32>
      %add3A_458 = arith.addf %add3A_457, %exp3A_455 : vector<16xf32>
      %div3A_459 = arith.constant 1.000000e+00 : f32
      %div3A_460 = vector.broadcast %div3A_459 : f32 to vector<16xf32>
      %div3A_461 = arith.divf %div3A_460, %add3A_458 : vector<16xf32>
      %select_n3A_462 = arith.select %ge3A_441, %div3A_451, %div3A_461 : vector<16xi1>, vector<16xf32>
      %mul3A_463 = arith.constant 64 : i32
      %mul3A_464 = arith.muli %scan3A_127, %mul3A_463 : i32
      %add3A_465 = arith.constant 32 : i32
      %add3A_466 = arith.addi %mul3A_464, %add3A_465 : i32
      %swap3A_467 = arith.index_cast %add3A_466 : i32 to index
      %swap3A_468 = tpu.vector_load %arg16[%swap3A_467] {strides = array<i32>} : memref<5120xf32, #tpu.memory_space<vmem>>, vector<16xf32>,
      tpu.vector_store %arg16[%swap3A_467], %select_n3A_462 {strides = array<i32>} : memref<5120xf32, #tpu.memory_space<vmem>>, vector<16xf32>,
      %get3A_469 = arith.constant 48 : index
      %get3A_470 = tpu.vector_load %arg18[%get3A_469] {strides = array<i32>} : memref<1024xf32, #tpu.memory_space<vmem>>, vector<16xf32>,
      %get3A_471 = arith.constant 112 : index
      %get3A_472 = tpu.vector_load %arg18[%get3A_471] {strides = array<i32>} : memref<1024xf32, #tpu.memory_space<vmem>>, vector<16xf32>,
      %get3A_473 = arith.constant 176 : index
      %get3A_474 = tpu.vector_load %arg18[%get3A_473] {strides = array<i32>} : memref<1024xf32, #tpu.memory_space<vmem>>, vector<16xf32>,
      %get3A_475 = arith.constant 240 : index
      %get3A_476 = tpu.vector_load %arg18[%get3A_475] {strides = array<i32>} : memref<1024xf32, #tpu.memory_space<vmem>>, vector<16xf32>,
      %get3A_477 = arith.constant 304 : index
      %get3A_478 = tpu.vector_load %arg18[%get3A_477] {strides = array<i32>} : memref<1024xf32, #tpu.memory_space<vmem>>, vector<16xf32>,
      %get3A_479 = arith.constant 368 : index
      %get3A_480 = tpu.vector_load %arg18[%get3A_479] {strides = array<i32>} : memref<1024xf32, #tpu.memory_space<vmem>>, vector<16xf32>,
      %get3A_481 = arith.constant 432 : index
      %get3A_482 = tpu.vector_load %arg18[%get3A_481] {strides = array<i32>} : memref<1024xf32, #tpu.memory_space<vmem>>, vector<16xf32>,
      %get3A_483 = arith.constant 496 : index
      %get3A_484 = tpu.vector_load %arg18[%get3A_483] {strides = array<i32>} : memref<1024xf32, #tpu.memory_space<vmem>>, vector<16xf32>,
      %get3A_485 = arith.constant 560 : index
      %get3A_486 = tpu.vector_load %arg18[%get3A_485] {strides = array<i32>} : memref<1024xf32, #tpu.memory_space<vmem>>, vector<16xf32>,
      %get3A_487 = arith.constant 624 : index
      %get3A_488 = tpu.vector_load %arg18[%get3A_487] {strides = array<i32>} : memref<1024xf32, #tpu.memory_space<vmem>>, vector<16xf32>,
      %get3A_489 = arith.constant 688 : index
      %get3A_490 = tpu.vector_load %arg18[%get3A_489] {strides = array<i32>} : memref<1024xf32, #tpu.memory_space<vmem>>, vector<16xf32>,
      %get3A_491 = arith.constant 752 : index
      %get3A_492 = tpu.vector_load %arg18[%get3A_491] {strides = array<i32>} : memref<1024xf32, #tpu.memory_space<vmem>>, vector<16xf32>,
      %get3A_493 = arith.constant 816 : index
      %get3A_494 = tpu.vector_load %arg18[%get3A_493] {strides = array<i32>} : memref<1024xf32, #tpu.memory_space<vmem>>, vector<16xf32>,
      %get3A_495 = arith.constant 880 : index
      %get3A_496 = tpu.vector_load %arg18[%get3A_495] {strides = array<i32>} : memref<1024xf32, #tpu.memory_space<vmem>>, vector<16xf32>,
      %get3A_497 = arith.constant 944 : index
      %get3A_498 = tpu.vector_load %arg18[%get3A_497] {strides = array<i32>} : memref<1024xf32, #tpu.memory_space<vmem>>, vector<16xf32>,
      %get3A_499 = arith.constant 1008 : index
      %get3A_500 = tpu.vector_load %arg18[%get3A_499] {strides = array<i32>} : memref<1024xf32, #tpu.memory_space<vmem>>, vector<16xf32>,
      %add3A_501 = arith.addf %get3A_470, %get3A_472 : vector<16xf32>
      %add3A_502 = arith.addf %get3A_474, %get3A_476 : vector<16xf32>
      %add3A_503 = arith.addf %get3A_478, %get3A_480 : vector<16xf32>
      %add3A_504 = arith.addf %get3A_482, %get3A_484 : vector<16xf32>
      %add3A_505 = arith.addf %get3A_486, %get3A_488 : vector<16xf32>
      %add3A_506 = arith.addf %get3A_490, %get3A_492 : vector<16xf32>
      %add3A_507 = arith.addf %get3A_494, %get3A_496 : vector<16xf32>
      %add3A_508 = arith.addf %get3A_498, %get3A_500 : vector<16xf32>
      %add3A_509 = arith.addf %add3A_501, %add3A_502 : vector<16xf32>
      %add3A_510 = arith.addf %add3A_503, %add3A_504 : vector<16xf32>
      %add3A_511 = arith.addf %add3A_505, %add3A_506 : vector<16xf32>
      %add3A_512 = arith.addf %add3A_507, %add3A_508 : vector<16xf32>
      %add3A_513 = arith.addf %add3A_509, %add3A_510 : vector<16xf32>
      %add3A_514 = arith.addf %add3A_511, %add3A_512 : vector<16xf32>
      %add3A_515 = arith.addf %add3A_513, %add3A_514 : vector<16xf32>
      %mul3A_516 = arith.constant 64 : i32
      %mul3A_517 = arith.muli %scan3A_127, %mul3A_516 : i32
      %add3A_518 = arith.constant 48 : i32
      %add3A_519 = arith.addi %mul3A_517, %add3A_518 : i32
      %get3A_520 = arith.index_cast %add3A_519 : i32 to index
      %get3A_521 = tpu.vector_load %arg13[%get3A_520] {strides = array<i32>} : memref<5120xi32, #tpu.memory_space<vmem>>, vector<16xi32>,
      %mul3A_522 = arith.constant 64 : i32
      %mul3A_523 = arith.muli %scan3A_127, %mul3A_522 : i32
      %add3A_524 = arith.constant 48 : i32
      %add3A_525 = arith.addi %mul3A_523, %add3A_524 : i32
      %get3A_526 = arith.index_cast %add3A_525 : i32 to index
      %get3A_527 = tpu.vector_load %arg14[%get3A_526] {strides = array<i32>} : memref<5120xi32, #tpu.memory_space<vmem>>, vector<16xi32>,
      %gather3A_528 = tpu.vector_load_idx %arg11[%get3A_521] : memref<10000xf32, #tpu.memory_space<vmem>>[vector<16xi32>], vector<16xf32>,
      %sub3A_529 = arith.subf %add3A_515, %gather3A_528 : vector<16xf32>
      %gather3A_530 = tpu.vector_load_idx %arg11[%get3A_527] : memref<10000xf32, #tpu.memory_space<vmem>>[vector<16xi32>], vector<16xf32>,
      %sub3A_531 = arith.subf %sub3A_529, %gather3A_530 : vector<16xf32>
      %mul3A_532 = arith.constant 5.000000e-01 : f32
      %mul3A_533 = vector.broadcast %mul3A_532 : f32 to vector<16xf32>
      %mul3A_534 = arith.mulf %mul3A_533, %sub3A_531 : vector<16xf32>
      %gather3A_535 = tpu.vector_load_idx %arg10[%get3A_521] : memref<10000xf32, #tpu.memory_space<vmem>>[vector<16xi32>], vector<16xf32>,
      %gather3A_536 = tpu.vector_load_idx %arg10[%get3A_527] : memref<10000xf32, #tpu.memory_space<vmem>>[vector<16xi32>], vector<16xf32>,
      %add3A_537 = arith.addf %gather3A_535, %gather3A_536 : vector<16xf32>
      %mul3A_538 = arith.constant 64 : i32
      %mul3A_539 = arith.muli %scan3A_127, %mul3A_538 : i32
      %add3A_540 = arith.constant 48 : i32
      %add3A_541 = arith.addi %mul3A_539, %add3A_540 : i32
      %get3A_542 = arith.index_cast %add3A_541 : i32 to index
      %get3A_543 = tpu.vector_load %arg15[%get3A_542] {strides = array<i32>} : memref<5120xf32, #tpu.memory_space<vmem>>, vector<16xf32>,
      %add3A_544 = arith.addf %mul3A_534, %get3A_543 : vector<16xf32>
      %mul3A_545 = arith.mulf %add3A_544, %get3A_5 : vector<16xf32>
      %ge3A_546 = arith.constant 0.000000e+00 : f32
      %ge3A_547 = vector.broadcast %ge3A_546 : f32 to vector<16xf32>
      %ge3A_548 = arith.cmpf oge, %mul3A_545, %ge3A_547 : vector<16xf32>
      %neg3A_549 = arith.constant 0.000000e+00 : f32
      %neg3A_550 = vector.broadcast %neg3A_549 : f32 to vector<16xf32>
      %neg3A_551 = arith.subf %neg3A_550, %mul3A_534 : vector<16xf32>
      %exp3A_552 = math.exp %neg3A_551 : vector<16xf32>
      %add3A_553 = arith.constant 1.000000e+00 : f32
      %add3A_554 = vector.broadcast %add3A_553 : f32 to vector<16xf32>
      %add3A_555 = arith.addf %add3A_554, %exp3A_552 : vector<16xf32>
      %div3A_556 = arith.constant 1.000000e+00 : f32
      %div3A_557 = vector.broadcast %div3A_556 : f32 to vector<16xf32>
      %div3A_558 = arith.divf %div3A_557, %add3A_555 : vector<16xf32>
      %neg3A_559 = arith.constant 0.000000e+00 : f32
      %neg3A_560 = vector.broadcast %neg3A_559 : f32 to vector<16xf32>
      %neg3A_561 = arith.subf %neg3A_560, %add3A_537 : vector<16xf32>
      %exp3A_562 = math.exp %neg3A_561 : vector<16xf32>
      %add3A_563 = arith.constant 1.000000e+00 : f32
      %add3A_564 = vector.broadcast %add3A_563 : f32 to vector<16xf32>
      %add3A_565 = arith.addf %add3A_564, %exp3A_562 : vector<16xf32>
      %div3A_566 = arith.constant 1.000000e+00 : f32
      %div3A_567 = vector.broadcast %div3A_566 : f32 to vector<16xf32>
      %div3A_568 = arith.divf %div3A_567, %add3A_565 : vector<16xf32>
      %select_n3A_569 = arith.select %ge3A_548, %div3A_558, %div3A_568 : vector<16xi1>, vector<16xf32>
      %mul3A_570 = arith.constant 64 : i32
      %mul3A_571 = arith.muli %scan3A_127, %mul3A_570 : i32
      %add3A_572 = arith.constant 48 : i32
      %add3A_573 = arith.addi %mul3A_571, %add3A_572 : i32
      %swap3A_574 = arith.index_cast %add3A_573 : i32 to index
      %swap3A_575 = tpu.vector_load %arg16[%swap3A_574] {strides = array<i32>} : memref<5120xf32, #tpu.memory_space<vmem>>, vector<16xf32>,
      tpu.vector_store %arg16[%swap3A_574], %select_n3A_569 {strides = array<i32>} : memref<5120xf32, #tpu.memory_space<vmem>>, vector<16xf32>,
      %scan3A_576 = arith.constant 0 : i32
      scf.yield %scan3A_576 : i32
    }
    %scan3A_126 = arith.constant 80 : i32
    "tpu.region"() ({
      %run_scoped3A = tpu.sem_alloc : memref<!tpu.dma_semaphore, #tpu.memory_space<semaphore_mem>>
      %dma_start3A_127 = tpu.memref_slice %arg9[%mul3A_4] : memref<163840xf32, #tpu.memory_space<hbm>> -> memref<5120xf32, #tpu.memory_space<hbm>>
      %dma_start3A_128 = tpu.memref_slice %arg9[%mul3A_4] : memref<163840xf32, #tpu.memory_space<hbm>> -> memref<5120xf32, #tpu.memory_space<hbm>>
      tpu.enqueue_dma source(%arg16 : memref<5120xf32, #tpu.memory_space<vmem>>) target(%dma_start3A_128 : memref<5120xf32, #tpu.memory_space<hbm>>) target_semaphore(%run_scoped3A : memref<!tpu.dma_semaphore, #tpu.memory_space<semaphore_mem>>)
      %dma_wait3A_129 = tpu.memref_slice %arg9[%mul3A_4] : memref<163840xf32, #tpu.memory_space<hbm>> -> memref<5120xf32, #tpu.memory_space<hbm>>
      %dma_wait3A_130 = tpu.memref_slice %arg9[%mul3A_4] : memref<163840xf32, #tpu.memory_space<hbm>> -> memref<5120xf32, #tpu.memory_space<hbm>>
      tpu.wait_dma2 semaphore(%run_scoped3A : memref<!tpu.dma_semaphore, #tpu.memory_space<semaphore_mem>>) src(%arg16 : memref<5120xf32, #tpu.memory_space<vmem>>) dst(%dma_wait3A_130 : memref<5120xf32, #tpu.memory_space<hbm>>)
      tpu.yield
    }) : () -> ()
    return
  }
}

</mosaic_0001>

<sc_bundles>
// kernel: _decode.3.cloned.1.call-start
scs
__scs_entry_jumppad:
0x0: {  	(pc) =	sbr.rel $0x88, $3  }
0x1: {  	(tag) =	ssettag $0x0;
	lr =	simm.s32 $0x1  }
0x2: {  	[smem:$0x3F9A] =	sst lr;
	_ =	strace $0xD0000000  }
0x3: {  	_ = 	snop  }
0x4: {  	_ = 	snop  }
0x5: {  	_ = 	snop  }
0x6: {  	_ = 	snop  }
0x7: {  	_ = 	snop  }
__scs_overlays_trampoline_lowered:
0x8: {  	[smem:$0x3FA9] =	sst s0  }
0x9: {  	[smem:$0x3FAA] =	sst s1  }
0xa: {  	[smem:$0x3FAB] =	sst s2  }
0xb: {  	[smem:$0x3FAC] =	sst s3  }
0xc: {  	[smem:$0x3FAD] =	sst s4  }
0xd: {  	[smem:$0x3FAE] =	sst s5  }
0xe: {  	[smem:$0x3FAF] =	sst s6  }
0xf: {  	[smem:$0x3FB0] =	sst s7  }
0x10: {  	[smem:$0x3FB1] =	sst s8  }
0x11: {  	[smem:$0x3FB2] =	sst s9;
	s0 =	simm.s32 @!p0 $0x0  }
0x12: {  	s1 =	sld [smem:$0x3F98];
	s0 =	simm.s32 @p0 $0x1  }
0x13: {  	[smem:$0x3FB3] =	sst s0;
	s0 =	simm.s32 @!p1 $0x0  }
0x14: {  	s2 =	sld [smem:$0x3F97];
	s0 =	simm.s32 @p1 $0x1  }
0x15: {  	[smem:$0x3FB4] =	sst s0;
	s0 =	simm.s32 @!p2 $0x0  }
0x16: {  	s3 =	sld [smem:$0x3FDB];
	s0 =	simm.s32 @p2 $0x1  }
0x17: {  	s4 =	simm.s32 $0x1BF5;
	[smem:$0x3FB6] =	sst s0  }
0x18: {  	s0 =	sld [smem:$0x3F99];
	_ =	swait.ge [sflag:s4], $0x0  }
0x19: {  	s7 =	sld [smem:$0x3F9A]  }
0x1a: {  	s8 =	sadd.s32 $0xFFFFE003, lr  }
0x1b: {  	s9 =	sadd.s32 $0xFFFFFEF7, lr;
	s5 =	simm.s32 $0xFFFFFFFF;
	p2 =	slt.u32 s8, $0xFFFFF086  }
0x1c: {  	p1 =	slt.u32 s9, $0xF7A;
	s5 =	simm.s32 @!p2 $0x0  }
0x1d: {  	s5 =	simm.s32 @p1 $0x1;
	p0 =	seq.s32 s7, s2  }
0x1e: {  	s7 =	smul.u32 @!p0 $0xF7A, s2;
	p2 =	seq.s32 @!p0 s5, $0x0  }
0x1f: {  	s9 =	smul.u32 $0xF7A, s1;
	s8 =	simm.s32 @!p0 $0x1BF5;
	p2 =	por !p2, p0  }
0x20: {  	[sflag:s8] =	ssyncset.s32 @!p0 $0xFFFFF086;
	s6 =	sadd.s32 @!p0 s3, s7;
	s7 =	simm.s32 @!p0 $0x108  }
0x21: {  	s3 =	sadd.s32 s3, s9;
	s6 =	sadd.s32 @!p0 $0x88, s6;
	s7 =	simm.s32 @p2 $0x1082  }
0x22: {  	[simem:s7], [sflag:s8] =	dma.local @!p0 [hbm:s6], $0xF7A  }
0x23: {  	s9 =	sor.u32 $0xD0000000, s2;
	s6 =	simm.s32 $0x108;
	_ =	swait.ge @!p0 [sflag:s8], $0x0  }
0x24: {  	s3 =	sadd.s32 $0x88, s3;
	s6 =	simm.s32 @!p1 $0x1082;
	[sflag:s4] =	ssyncset.s32 $0xFFFFF086  }
0x25: {  	[simem:s6], [sflag:s4] =	dma.local [hbm:s3], $0xF7A  }
0x26: {  	[smem:$0x3F9A] =	sst s1;
	(tag) =	ssettag s2;
	_ =	strace s9  }
0x27: {  	s1 =	sld [smem:$0x3FAA]  }
0x28: {  	s2 =	sld [smem:$0x3FAB]  }
0x29: {  	s4 =	sld [smem:$0x3FAD]  }
0x2a: {  	p0 =	seq.s32 s5, $0x0;
	s5 =	sld [smem:$0x3FAE]  }
0x2b: {  	s6 =	sld [smem:$0x3FAF]  }
0x2c: {  	s7 =	sld [smem:$0x3FB0]  }
0x2d: {  	s3 =	simm.s32 $0x108;
	s8 =	sld [smem:$0x3FB1]  }
0x2e: {  	s3 =	simm.s32 @!p0 $0x1082;
	s9 =	sld [smem:$0x3FB2]  }
0x2f: {  	lr =	sadd.s32 s0, s3;
	s0 =	sld [smem:$0x3FA9]  }
0x30: {  	s3 =	sld [smem:$0x3FAC]  }
0x31: {  	[smem:$0x3FB5] =	sst s10  }
0x32: {  	s10 =	sld [smem:$0x3FB3];
	_ =	sdelay $0x3  }
0x33: {  	p0 =	seq.s32 s10, $0x1;
	s10 =	sld [smem:$0x3FB5];
	_ =	sdelay $0x3  }
0x34: {  	[smem:$0x3FB5] =	sst s10  }
0x35: {  	s10 =	sld [smem:$0x3FB4];
	_ =	sdelay $0x3  }
0x36: {  	p1 =	seq.s32 s10, $0x1;
	s10 =	sld [smem:$0x3FB5];
	_ =	sdelay $0x3  }
0x37: {  	[smem:$0x3FB5] =	sst s10  }
0x38: {  	s10 =	sld [smem:$0x3FB6]  }
0x39: {  	_ = 	snop;
	(pc) =	sbr.ind lr, $3  }
0x3a: {  	_ = 	snop  }
0x3b: {  	_ = 	snop  }
0x3c: {  	p2 =	seq.s32 s10, $0x1;
	s10 =	sld [smem:$0x3FB5]  }
0x3d: {  	_ =	shalt  }
0x3e: {  	_ =	shalt  }
0x3f: {  	_ =	shalt  }
0x40: {  	_ =	shalt  }
0x41: {  	_ =	shalt  }
0x42: {  	_ =	shalt  }
0x43: {  	_ =	shalt  }
0x44: {  	_ =	shalt  }
0x45: {  	_ =	shalt  }
0x46: {  	_ =	shalt  }
0x47: {  	_ =	shalt  }
0x48: {  	_ =	shalt  }
0x49: {  	_ =	shalt  }
0x4a: {  	_ =	shalt  }
0x4b: {  	_ =	shalt  }
0x4c: {  	_ =	shalt  }
0x4d: {  	_ =	shalt  }
0x4e: {  	_ =	shalt  }
0x4f: {  	_ =	shalt  }
0x50: {  	_ =	shalt  }
0x51: {  	_ =	shalt  }
0x52: {  	_ =	shalt  }
0x53: {  	_ =	shalt  }
0x54: {  	_ =	shalt  }
0x55: {  	_ =	shalt  }
0x56: {  	_ =	shalt  }
0x57: {  	_ =	shalt  }
0x58: {  	_ =	shalt  }
0x59: {  	_ =	shalt  }
0x5a: {  	_ =	shalt  }
0x5b: {  	_ =	shalt  }
0x5c: {  	_ =	shalt  }
0x5d: {  	_ =	shalt  }
0x5e: {  	_ =	shalt  }
0x5f: {  	_ =	shalt  }
0x60: {  	_ =	shalt  }
0x61: {  	_ =	shalt  }
0x62: {  	_ =	shalt  }
0x63: {  	_ =	shalt  }
0x64: {  	_ =	shalt  }
0x65: {  	_ =	shalt  }
0x66: {  	_ =	shalt  }
0x67: {  	_ =	shalt  }
0x68: {  	_ =	shalt  }
0x69: {  	_ =	shalt  }
0x6a: {  	_ =	shalt  }
0x6b: {  	_ =	shalt  }
0x6c: {  	_ =	shalt  }
0x6d: {  	_ =	shalt  }
0x6e: {  	_ =	shalt  }
0x6f: {  	_ =	shalt  }
0x70: {  	_ =	shalt  }
0x71: {  	_ =	shalt  }
0x72: {  	_ =	shalt  }
0x73: {  	_ =	shalt  }
0x74: {  	_ =	shalt  }
0x75: {  	_ =	shalt  }
0x76: {  	_ =	shalt  }
0x77: {  	_ =	shalt  }
0x78: {  	_ =	shalt  }
0x79: {  	_ =	shalt  }
0x7a: {  	_ =	shalt  }
0x7b: {  	_ =	shalt  }
0x7c: {  	_ =	shalt  }
0x7d: {  	_ =	shalt  }
0x7e: {  	_ =	shalt  }
0x7f: {  	_ =	shalt  }
0x80: {  	_ =	shalt  }
0x81: {  	_ =	shalt  }
0x82: {  	_ =	shalt  }
0x83: {  	_ =	shalt  }
0x84: {  	_ =	shalt  }
0x85: {  	_ =	shalt  }
0x86: {  	_ =	shalt  }
0x87: {  	_ =	shalt  }
.Lfunc_end0:
.L_simem_size_0:
called_computation_lowered:
.L_overlay_start_0:
0x88: {  	s2 =	sld [smem:$0x3FD9]  }
0x89: {  	s3 =	sld [smem:$0x3FFE];
	_ =	sdelay $0x1  }
0x8a: {  	s1 =	srdreg.scid  }
0x8b: {  	s0 =	sand.u32 $0x1, s1  }
0x8c: {  	s18 =	sshll.u32 s0, $0xA;
	s2 =	sadd.s32 s3, s2  }
0x8d: {  	s2 =	sadd.s32 s2, s18  }
0x8e: {  	[smem:$0x3FC1] =	sst s2  }
0x8f: {  	_ = 	snop  }
0x90: {  	s2 =	sld [smem:$0x3FC9]  }
0x91: {  	s19 =	sld [smem:$0x3FC8]  }
0x92: {  	s4 =	sld [smem:$0x3FC7]  }
0x93: {  	s5 =	sld [smem:$0x3FC6]  }
0x94: {  	s6 =	sld [smem:$0x3FC5]  }
0x95: {  	s7 =	sld [smem:$0x3FC4]  }
0x96: {  	s8 =	sld [smem:$0x3FC3]  }
0x97: {  	s9 =	sld [smem:$0x3FD0];
	(tm) =	ssettm $0x1  }
0x98: {  	s10 =	sld [smem:$0x3FFB];
	_ =	sdelay $0x3  }
0x99: {  	_ =	strace s10  }
0x9a: {  	s10 =	sld [smem:$0x3FFC];
	_ =	sdelay $0x3  }
0x9b: {  	_ =	strace s10  }
0x9c: {  	s10 =	sld [smem:$0x3FFD];
	_ =	sdelay $0x3  }
0x9d: {  	_ =	strace s10  }
0x9e: {  	_ =	strace $0x8FFFFFFF  }
0x9f: {  	s20 =	sld [smem:$0x3FDB];
	_ =	sdelay $0x1  }
0xa0: {  	s11 =	simm.s32 $_scs_section_size  }
0xa1: {  	s12 =	simm.s32 $_size__tile_overlayer_lowered;
	s13 =	simm.s32 $_tile_overlayer_lowered  }
0xa2: {  	s23 =	simm.s32 $0x1BFF;
	s22 =	sshll.u32 s13, $0x1;
	s10 =	sadd.s32 s11, s20  }
0xa3: {  	s14 =	simm.s32 $0x0;
	s21 =	sshll.u32 s12, $0x1;
	s12 =	sadd.s32 s22, s10  }
0xa4: {  	[timem:s14], [sflag:s23] =	dma.local [hbm:s12], s21  }
0xa5: {  	_ =	swait.ge [sflag:s23], s21  }
0xa6: {  	s11 =	ssub.s32 $0x0, s21;
	[sflag:s23] =	ssyncset.done $0x0  }
0xa7: {  	[sflag:s23] =	ssyncadd.s32 s11;
	_ =	sdelay $0x1  }
0xa8: {  	s24 =	simm.s32 $0x1B8B  }
0xa9: {  	_ =	swait.ge [sflag:s24], $0x1  }
0xaa: {  	[sflag:s24] =	ssyncset.done $0x0  }
0xab: {  	s25 =	simm.s32 $0x1B8E;
	[sflag:s24] =	ssyncadd.s32 $0xFFFFFFFF  }
0xac: {  	s26 =	simm.s32 $execute0_lowered;
	[smem:$0x3FD2] =	sst s25  }
0xad: {  	s11 =	sshll.u32 s26, $0x1;
	_ =	strace $0x80000046;
	[dreg:$0x1] =	wrdreg $0xFFFFFFFF  }
0xae: {  	s28 =	simm.s32 $_size_execute0_lowered;
	s10 =	sadd.s32 s10, s11;
	[dreg:$0x0] =	wrdreg $0x0  }
0xaf: {  	s11 =	sshll.u32 s28, $0x1;
	[dreg:$0x2] =	wrdreg s10  }
0xb0: {  	[dreg:$0x3] =	wrdreg s11  }
0xb1: {  	[dreg:$0x4] =	wrdreg $0xC0  }
0xb2: {  	_ =	task [dreg:s14], $0x5FFFF  }
0xb3: {  	[dreg:$0x1] =	wrdreg $0xFFFFFFFF  }
0xb4: {  	[dreg:$0x0] =	wrdreg $0x60  }
0xb5: {  	[dreg:$0x2] =	wrdreg s2  }
0xb6: {  	[dreg:$0x3] =	wrdreg s19  }
0xb7: {  	[dreg:$0x4] =	wrdreg s4  }
0xb8: {  	[dreg:$0x5] =	wrdreg s5  }
0xb9: {  	[dreg:$0x6] =	wrdreg s6  }
0xba: {  	[dreg:$0x7] =	wrdreg s7  }
0xbb: {  	[dreg:$0x8] =	wrdreg s8  }
0xbc: {  	[dreg:$0x9] =	wrdreg s9  }
0xbd: {  	[dreg:$0xa] =	wrdreg $0x9  }
0xbe: {  	_ =	task.clear_ibuf [dreg:s14], $0xBFFFF;
	_ =	strace $0x90000046  }
0xbf: {  	s29 =	simm.s32 $0x9;
	_ =	strace $0x80000048  }
0xc0: {  	_ =	swait.ge [sflag:s29], $0x1  }
0xc1: {  	[sflag:s29] =	ssyncadd.s32 $0xFFFFFFFF  }
0xc2: {  	_ =	strace $0x90000048  }
0xc3: {  	_ =	sfence  }
0xc4: {  	s30 =	sld [smem:$0x0];
	_ =	sdelay $0x2  }
0xc5: {  	s31 =	sshll.u32 s1, $0xD;
	s1 =	sshrl.u32 s1, $0x2  }
0xc6: {  	s3 =	sand.u32 $0x4000, s31;
	s1 =	sadd.s32 s1, s30  }
0xc7: {  	s0 =	sor.u32 s3, s0;
	s1 =	sshll.u32 s1, $0x11  }
0xc8: {  	s0 =	sor.u32 s1, s0  }
0xc9: {  	s0 =	sadd.s32 $0x8F2B, s0  }
0xca: {  	[sflag:s0] =	ssyncadd.remote.s32 $0x1  }
0xcb: {  	_ =	sfence.sel $0xFFFF  }
0xcc: {  	[dreg:$0x0] =	wrdreg $0xFFFFFFFF;
	(pc) =	sbr.abs _section_cstart, $3  }
0xcd: {  	[dreg:$0x1] =	wrdreg $0xFFFFFFFF  }
0xce: {  	_ =	task.clear_ibuf [dreg:s14], $0x2FFFF;
	_ =	strace $0x9FFFFFFF  }
0xcf: {  	(tm) =	ssettm $0x7FFFFFFF  }
tec
execute0_lowered:
.L_overlay_start_1:
0x0: {  	(tag) =	ssettag $0x1  }
0x1: {  	s0 =	rddreg [dreg:$0x0]  }
0x2: {  	s1 =	rddreg [dreg:$0x4]  }
0x3: {  	s2 =	rddreg [dreg:$0x5]  }
0x4: {  	s3 =	rddreg [dreg:$0x6]  }
0x5: {  	s4 =	rddreg [dreg:$0x7]  }
0x6: {  	s5 =	srdreg.scid;
	s6 =	stileid.u32;
	s12 =	simm.s32 $0xB  }
0x7: {  	s13 =	simm.s32 $0x2780;
	s25 =	simm.s32 $0xD780;
	s28 =	simm.s32 $0xE780  }
0x8: {  	s29 =	simm.s32 $0xEF80;
	s30 =	simm.s32 $0xF780;
	s31 =	simm.s32 $0xFF80  }
0x9: {  	s16 =	simm.s32 $0x1;
	s5 =	sand.u32 $0x1, s5;
	s7 =	sshll.u32 s6, $0x1  }
0xa: {  	s6 =	simm.s32 $0x0;
	s8 =	ssub.s32 $0x2, s5;
	s5 =	sor.u32 s5, s7  }
0xb: {  	s17 =	simm.s32 $0x2;
	[smem:$0x7FF] =	sst s6;
	s5 =	smul.u32 $0x280, s5  }
0xc: {  	s14 =	simm.s32 $0x0;
	s26 =	sshrl.u32 s8, $0x1;
	_ =	strace $0x80000047  }
0xd: {  	s11 =	ssub.s32 s8, s26;
	s26 =	simm.s32 $0xDF80;
	s1 =	sadd.s32 s1, s5  }
0xe: {  	v0 =	vlaneseq.u32;
	s8 =	sadd.s32 s2, s5;
	s9 =	sadd.s32 s3, s5;
	s10 =	sadd.s32 s4, s5  }
0xf: {  	vm0 =	vmmov $0xffff;
	v2 =	vshrl.u32 v0, $0x3;
	s11 =	smax.u32 s11, $0x1;
	s4 =	simm.s32 $0x10780;
	s5 =	simm.s32 $0x10F80  }
0x10: {  	v1 =	vand.u32 $0x7, v0;
	v3 =	vor.u32 $0x8, v0;
	v2 =	vmul.u32 $0x8, v2;
	s2 =	simm.s32 $0x1DF80;
	[dreg:$0x9] =	wrdreg s1;
	s1 =	simm.s32 $0x11780  }
.LBB2_1:
0x11: {  	s3 =	rddreg [dreg:$0x1]  }
0x12: {  	[tilespmem:s6], [sflag:$0xB] =	stream.linear.gather [hbm4b:s3+s6], $0x2780, $0x38;
	[tilespmem:$0x1E380] =	vst v63  }
0x13: {  	_ =	swait.ge [sflag:s12], $0x2780  }
0x14: {  	[sflag:s12] =	ssyncset.done $0x0  }
0x15: {  	[sflag:s12] =	ssyncadd.s32 $0xFFFFD880  }
0x16: {  	s18 =	rddreg [dreg:$0x2]  }
0x17: {  	[tilespmem:s13], [sflag:$0xB] =	stream.linear.gather [hbm4b:s18+s6], $0x2780, $0x38;
	[tilespmem:$0x1E380] =	vst v63  }
0x18: {  	_ =	swait.ge [sflag:s12], $0x2780  }
0x19: {  	[sflag:s12] =	ssyncset.done $0x0  }
0x1a: {  	[sflag:s12] =	ssyncadd.s32 $0xFFFFD880  }
0x1b: {  	s7 =	simm.s32 $0x4F00;
	s19 =	rddreg [dreg:$0x3]  }
0x1c: {  	[tilespmem:s7], [sflag:$0xB] =	stream.linear.gather [hbm4b:s19+s6], $0x80, $0x38;
	[tilespmem:$0x1E380] =	vst v63  }
0x1d: {  	_ =	swait.ge [sflag:s12], $0x80  }
0x1e: {  	[sflag:s12] =	ssyncset.done $0x0  }
0x1f: {  	s21 =	simm.s32 $0x4F80;
	s20 =	rddreg [dreg:$0x9];
	[sflag:s12] =	ssyncadd.s32 $0xFFFFFF80  }
0x20: {  	[tilespmem:s21], [sflag:$0xB] =	stream.linear.gather [hbm4b:s20+s6], $0x1400, $0x38;
	[tilespmem:$0x1E380] =	vst v63  }
0x21: {  	_ =	swait.ge [sflag:s12], $0x1400  }
0x22: {  	[sflag:s12] =	ssyncset.done $0x0  }
0x23: {  	s22 =	simm.s32 $0x6380;
	[sflag:s12] =	ssyncadd.s32 $0xFFFFEC00  }
0x24: {  	[tilespmem:s22], [sflag:$0xB] =	stream.linear.gather [hbm4b:s8+s6], $0x1400, $0x38;
	[tilespmem:$0x1E380] =	vst v63  }
0x25: {  	_ =	swait.ge [sflag:s12], $0x1400  }
0x26: {  	[sflag:s12] =	ssyncset.done $0x0  }
0x27: {  	s23 =	simm.s32 $0x7780;
	[sflag:s12] =	ssyncadd.s32 $0xFFFFEC00  }
0x28: {  	[tilespmem:s23], [sflag:$0xB] =	stream.linear.gather [hbm4b:s9+s6], $0x1400, $0x38;
	[tilespmem:$0x1E380] =	vst v63  }
0x29: {  	_ =	swait.ge [sflag:s12], $0x1400  }
0x2a: {  	[sflag:s12] =	ssyncset.done $0x0  }
0x2b: {  	[sflag:s12] =	ssyncadd.s32 $0xFFFFEC00  }
0x2c: {  	v4 =	vld [tilespmem:$0x4F80];
	_ =	sdelay $0x4  }
0x2d: {  	v5 =	vshll.u32 v4, $0x1  }
0x2e: {  	v4 =	vand.u32 $0x7, v4;
	v5 =	vand.u32 $0xFFFFFFF0, v5  }
0x2f: {  	v4 =	vor.u32 v4, v5  }
0x30: {  	v5 =	vperm.xlane v4, v1;
	_ =	sdelay $0x1  }
0x31: {  	v4 =	vperm.xlane v4, v3;
	v5 =	vadd.s32 v2, v5;
	_ =	sdelay $0x1  }
0x32: {  	v6 =	vadd.s32 v2, v4;
	_ =	sdelay $0x1  }
0x33: {  	s3 =	simm.s32 $0x9F80  }
0x34: {  	v4 =	vld [tilespmem:$0x4F00];
	[tilespmem:s3], [sflag:$0x1] =	stream.indirect_vreg.gather [hbm4b:s0+s6], $0x80, v5, vm0, $0xb8  }
0x35: {  	s7 =	simm.s32 $0xA780  }
0x36: {  	[tilespmem:s7], [sflag:$0x1] =	stream.indirect_vreg.gather [hbm4b:s0+s6], $0x80, v6, vm0, $0xb8;
	[tilespmem:$0x1E380] =	vst v63  }
0x37: {  	v5 =	vld [tilespmem:$0x4F90];
	_ =	sdelay $0x4  }
0x38: {  	v6 =	vshll.u32 v5, $0x1  }
0x39: {  	v5 =	vand.u32 $0x7, v5;
	v6 =	vand.u32 $0xFFFFFFF0, v6  }
0x3a: {  	v5 =	vor.u32 v5, v6  }
0x3b: {  	v6 =	vperm.xlane v5, v1;
	_ =	sdelay $0x1  }
0x3c: {  	v5 =	vperm.xlane v5, v3;
	v6 =	vadd.s32 v2, v6;
	_ =	sdelay $0x1  }
0x3d: {  	v5 =	vadd.s32 v2, v5;
	_ =	sdelay $0x1  }
0x3e: {  	s15 =	simm.s32 $0xAF80  }
0x3f: {  	[tilespmem:s15], [sflag:$0x1] =	stream.indirect_vreg.gather [hbm4b:s0+s6], $0x80, v6, vm0, $0xb8;
	[tilespmem:$0x1E380] =	vst v63  }
0x40: {  	s18 =	simm.s32 $0xB780  }
0x41: {  	[tilespmem:s18], [sflag:$0x1] =	stream.indirect_vreg.gather [hbm4b:s0+s6], $0x80, v5, vm0, $0xb8;
	[tilespmem:$0x1E380] =	vst v63  }
0x42: {  	v5 =	vld [tilespmem:$0x4FA0];
	_ =	sdelay $0x4  }
0x43: {  	v6 =	vshll.u32 v5, $0x1  }
0x44: {  	v5 =	vand.u32 $0x7, v5;
	v6 =	vand.u32 $0xFFFFFFF0, v6  }
0x45: {  	v5 =	vor.u32 v5, v6  }
0x46: {  	v6 =	vperm.xlane v5, v1;
	_ =	sdelay $0x1  }
0x47: {  	v5 =	vperm.xlane v5, v3;
	v6 =	vadd.s32 v2, v6;
	_ =	sdelay $0x1  }
0x48: {  	v5 =	vadd.s32 v2, v5;
	_ =	sdelay $0x1  }
0x49: {  	s19 =	simm.s32 $0xBF80  }
0x4a: {  	[tilespmem:s19], [sflag:$0x1] =	stream.indirect_vreg.gather [hbm4b:s0+s6], $0x80, v6, vm0, $0xb8;
	[tilespmem:$0x1E380] =	vst v63  }
0x4b: {  	s20 =	simm.s32 $0xC780  }
0x4c: {  	[tilespmem:s20], [sflag:$0x1] =	stream.indirect_vreg.gather [hbm4b:s0+s6], $0x80, v5, vm0, $0xb8;
	[tilespmem:$0x1E380] =	vst v63  }
0x4d: {  	v5 =	vld [tilespmem:$0x4FB0];
	_ =	sdelay $0x4  }
0x4e: {  	v6 =	vshll.u32 v5, $0x1  }
0x4f: {  	v5 =	vand.u32 $0x7, v5;
	v6 =	vand.u32 $0xFFFFFFF0, v6  }
0x50: {  	v5 =	vor.u32 v5, v6  }
0x51: {  	v6 =	vperm.xlane v5, v1;
	_ =	sdelay $0x1  }
0x52: {  	v5 =	vperm.xlane v5, v3;
	v6 =	vadd.s32 v2, v6;
	_ =	sdelay $0x1  }
0x53: {  	v5 =	vadd.s32 v2, v5;
	_ =	sdelay $0x1  }
0x54: {  	s21 =	simm.s32 $0xCF80  }
0x55: {  	[tilespmem:s21], [sflag:$0x1] =	stream.indirect_vreg.gather [hbm4b:s0+s6], $0x80, v6, vm0, $0xb8;
	[tilespmem:$0x1E380] =	vst v63  }
0x56: {  	_ = 	snop  }
0x57: {  	[tilespmem:s25], [sflag:$0x1] =	stream.indirect_vreg.gather [hbm4b:s0+s6], $0x80, v5, vm0, $0xb8;
	[tilespmem:$0x1E380] =	vst v63  }
0x58: {  	v5 =	vld [tilespmem:$0x4FC0];
	_ =	sdelay $0x4  }
0x59: {  	v6 =	vshll.u32 v5, $0x1  }
0x5a: {  	v5 =	vand.u32 $0x7, v5;
	v6 =	vand.u32 $0xFFFFFFF0, v6  }
0x5b: {  	v5 =	vor.u32 v5, v6  }
0x5c: {  	v6 =	vperm.xlane v5, v1;
	_ =	sdelay $0x1  }
0x5d: {  	v5 =	vperm.xlane v5, v3;
	v6 =	vadd.s32 v2, v6;
	_ =	sdelay $0x1  }
0x5e: {  	v5 =	vadd.s32 v2, v5;
	_ =	sdelay $0x2  }
0x5f: {  	[tilespmem:s26], [sflag:$0x2] =	stream.indirect_vreg.gather [hbm4b:s0+s6], $0x80, v6, vm0, $0xb8;
	[tilespmem:$0x1E380] =	vst v63  }
0x60: {  	_ = 	snop  }
0x61: {  	[tilespmem:s28], [sflag:$0x2] =	stream.indirect_vreg.gather [hbm4b:s0+s6], $0x80, v5, vm0, $0xb8;
	[tilespmem:$0x1E380] =	vst v63  }
0x62: {  	v5 =	vld [tilespmem:$0x4FD0];
	_ =	sdelay $0x4  }
0x63: {  	v6 =	vshll.u32 v5, $0x1  }
0x64: {  	v5 =	vand.u32 $0x7, v5;
	v6 =	vand.u32 $0xFFFFFFF0, v6  }
0x65: {  	v5 =	vor.u32 v5, v6  }
0x66: {  	v6 =	vperm.xlane v5, v1;
	_ =	sdelay $0x1  }
0x67: {  	v5 =	vperm.xlane v5, v3;
	v6 =	vadd.s32 v2, v6;
	_ =	sdelay $0x1  }
0x68: {  	v5 =	vadd.s32 v2, v5;
	_ =	sdelay $0x2  }
0x69: {  	[tilespmem:s29], [sflag:$0x2] =	stream.indirect_vreg.gather [hbm4b:s0+s6], $0x80, v6, vm0, $0xb8;
	[tilespmem:$0x1E380] =	vst v63  }
0x6a: {  	_ = 	snop  }
0x6b: {  	[tilespmem:s30], [sflag:$0x2] =	stream.indirect_vreg.gather [hbm4b:s0+s6], $0x80, v5, vm0, $0xb8;
	[tilespmem:$0x1E380] =	vst v63  }
0x6c: {  	v5 =	vld [tilespmem:$0x4FE0];
	_ =	sdelay $0x4  }
0x6d: {  	v6 =	vshll.u32 v5, $0x1  }
0x6e: {  	v5 =	vand.u32 $0x7, v5;
	v6 =	vand.u32 $0xFFFFFFF0, v6  }
0x6f: {  	v5 =	vor.u32 v5, v6  }
0x70: {  	v6 =	vperm.xlane v5, v1;
	_ =	sdelay $0x1  }
0x71: {  	v5 =	vperm.xlane v5, v3;
	v6 =	vadd.s32 v2, v6;
	_ =	sdelay $0x1  }
0x72: {  	v5 =	vadd.s32 v2, v5;
	_ =	sdelay $0x2  }
0x73: {  	[tilespmem:s31], [sflag:$0x2] =	stream.indirect_vreg.gather [hbm4b:s0+s6], $0x80, v6, vm0, $0xb8;
	[tilespmem:$0x1E380] =	vst v63  }
0x74: {  	_ = 	snop  }
0x75: {  	[tilespmem:s4], [sflag:$0x2] =	stream.indirect_vreg.gather [hbm4b:s0+s6], $0x80, v5, vm0, $0xb8;
	[tilespmem:$0x1E380] =	vst v63  }
0x76: {  	v5 =	vld [tilespmem:$0x4FF0];
	_ =	sdelay $0x4  }
0x77: {  	v6 =	vshll.u32 v5, $0x1  }
0x78: {  	v5 =	vand.u32 $0x7, v5;
	v6 =	vand.u32 $0xFFFFFFF0, v6  }
0x79: {  	v5 =	vor.u32 v5, v6  }
0x7a: {  	v6 =	vperm.xlane v5, v1;
	_ =	sdelay $0x1  }
0x7b: {  	v5 =	vperm.xlane v5, v3;
	v6 =	vadd.s32 v2, v6;
	_ =	sdelay $0x1  }
0x7c: {  	v5 =	vadd.s32 v2, v5;
	_ =	sdelay $0x2  }
0x7d: {  	[tilespmem:s5], [sflag:$0x2] =	stream.indirect_vreg.gather [hbm4b:s0+s6], $0x80, v6, vm0, $0xb8;
	[tilespmem:$0x1E380] =	vst v63  }
0x7e: {  	_ = 	snop  }
0x7f: {  	[tilespmem:s1], [sflag:$0x2] =	stream.indirect_vreg.gather [hbm4b:s0+s6], $0x80, v5, vm0, $0xb8;
	[tilespmem:$0x1E380] =	vst v63  }
0x80: {  	v5 =	vld [tilespmem:$0x5000];
	_ =	sdelay $0x4  }
0x81: {  	v6 =	vshll.u32 v5, $0x1  }
0x82: {  	v5 =	vand.u32 $0x7, v5;
	v6 =	vand.u32 $0xFFFFFFF0, v6  }
0x83: {  	v5 =	vor.u32 v5, v6  }
0x84: {  	v6 =	vperm.xlane v5, v1;
	_ =	sdelay $0x1  }
0x85: {  	v5 =	vperm.xlane v5, v3;
	v6 =	vadd.s32 v2, v6;
	_ =	sdelay $0x1  }
0x86: {  	v5 =	vadd.s32 v2, v5;
	_ =	sdelay $0x1  }
0x87: {  	s22 =	simm.s32 $0x11F80  }
0x88: {  	[tilespmem:s22], [sflag:$0x3] =	stream.indirect_vreg.gather [hbm4b:s0+s6], $0x80, v6, vm0, $0xb8;
	[tilespmem:$0x1E380] =	vst v63  }
0x89: {  	s24 =	simm.s32 $0x12780  }
0x8a: {  	[tilespmem:s24], [sflag:$0x3] =	stream.indirect_vreg.gather [hbm4b:s0+s6], $0x80, v5, vm0, $0xb8;
	[tilespmem:$0x1E380] =	vst v63  }
0x8b: {  	v5 =	vld [tilespmem:$0x5010];
	_ =	sdelay $0x4  }
0x8c: {  	v6 =	vshll.u32 v5, $0x1  }
0x8d: {  	v5 =	vand.u32 $0x7, v5;
	v6 =	vand.u32 $0xFFFFFFF0, v6  }
0x8e: {  	v5 =	vor.u32 v5, v6  }
0x8f: {  	v6 =	vperm.xlane v5, v1;
	_ =	sdelay $0x1  }
0x90: {  	v5 =	vperm.xlane v5, v3;
	v6 =	vadd.s32 v2, v6;
	_ =	sdelay $0x1  }
0x91: {  	v5 =	vadd.s32 v2, v5;
	_ =	sdelay $0x1  }
0x92: {  	s23 =	simm.s32 $0x12F80  }
0x93: {  	[tilespmem:s23], [sflag:$0x3] =	stream.indirect_vreg.gather [hbm4b:s0+s6], $0x80, v6, vm0, $0xb8;
	[tilespmem:$0x1E380] =	vst v63  }
0x94: {  	s24 =	simm.s32 $0x13780  }
0x95: {  	[tilespmem:s24], [sflag:$0x3] =	stream.indirect_vreg.gather [hbm4b:s0+s6], $0x80, v5, vm0, $0xb8;
	[tilespmem:$0x1E380] =	vst v63  }
0x96: {  	v5 =	vld [tilespmem:$0x5020];
	_ =	sdelay $0x4  }
0x97: {  	v6 =	vshll.u32 v5, $0x1  }
0x98: {  	v5 =	vand.u32 $0x7, v5;
	v6 =	vand.u32 $0xFFFFFFF0, v6  }
0x99: {  	v5 =	vor.u32 v5, v6  }
0x9a: {  	v6 =	vperm.xlane v5, v1;
	_ =	sdelay $0x1  }
0x9b: {  	v5 =	vperm.xlane v5, v3;
	v6 =	vadd.s32 v2, v6;
	_ =	sdelay $0x1  }
0x9c: {  	v5 =	vadd.s32 v2, v5;
	_ =	sdelay $0x1  }
0x9d: {  	s23 =	simm.s32 $0x13F80  }
0x9e: {  	[tilespmem:s23], [sflag:$0x3] =	stream.indirect_vreg.gather [hbm4b:s0+s6], $0x80, v6, vm0, $0xb8;
	[tilespmem:$0x1E380] =	vst v63  }
0x9f: {  	s24 =	simm.s32 $0x14780  }
0xa0: {  	[tilespmem:s24], [sflag:$0x3] =	stream.indirect_vreg.gather [hbm4b:s0+s6], $0x80, v5, vm0, $0xb8;
	[tilespmem:$0x1E380] =	vst v63  }
0xa1: {  	v5 =	vld [tilespmem:$0x5030];
	_ =	sdelay $0x4  }
0xa2: {  	v6 =	vshll.u32 v5, $0x1  }
0xa3: {  	v5 =	vand.u32 $0x7, v5;
	v6 =	vand.u32 $0xFFFFFFF0, v6  }
0xa4: {  	v5 =	vor.u32 v5, v6  }
0xa5: {  	v6 =	vperm.xlane v5, v1;
	_ =	sdelay $0x1  }
0xa6: {  	v5 =	vperm.xlane v5, v3;
	v6 =	vadd.s32 v2, v6;
	_ =	sdelay $0x1  }
0xa7: {  	v5 =	vadd.s32 v2, v5;
	_ =	sdelay $0x1  }
0xa8: {  	s23 =	simm.s32 $0x14F80  }
0xa9: {  	[tilespmem:s23], [sflag:$0x3] =	stream.indirect_vreg.gather [hbm4b:s0+s6], $0x80, v6, vm0, $0xb8;
	[tilespmem:$0x1E380] =	vst v63  }
0xaa: {  	s24 =	simm.s32 $0x15780  }
0xab: {  	[tilespmem:s24], [sflag:$0x3] =	stream.indirect_vreg.gather [hbm4b:s0+s6], $0x80, v5, vm0, $0xb8;
	[tilespmem:$0x1E380] =	vst v63  }
0xac: {  	v5 =	vld [tilespmem:$0x5040];
	_ =	sdelay $0x4  }
0xad: {  	v6 =	vshll.u32 v5, $0x1  }
0xae: {  	v5 =	vand.u32 $0x7, v5;
	v6 =	vand.u32 $0xFFFFFFF0, v6  }
0xaf: {  	v5 =	vor.u32 v5, v6  }
0xb0: {  	v6 =	vperm.xlane v5, v1;
	_ =	sdelay $0x1  }
0xb1: {  	v5 =	vperm.xlane v5, v3;
	v6 =	vadd.s32 v2, v6;
	_ =	sdelay $0x1  }
0xb2: {  	v5 =	vadd.s32 v2, v5;
	_ =	sdelay $0x1  }
0xb3: {  	s23 =	simm.s32 $0x15F80  }
0xb4: {  	[tilespmem:s23], [sflag:$0x4] =	stream.indirect_vreg.gather [hbm4b:s0+s6], $0x80, v6, vm0, $0xb8;
	[tilespmem:$0x1E380] =	vst v63  }
0xb5: {  	s24 =	simm.s32 $0x16780  }
0xb6: {  	[tilespmem:s24], [sflag:$0x4] =	stream.indirect_vreg.gather [hbm4b:s0+s6], $0x80, v5, vm0, $0xb8;
	[tilespmem:$0x1E380] =	vst v63  }
0xb7: {  	v5 =	vld [tilespmem:$0x5050];
	_ =	sdelay $0x4  }
0xb8: {  	v6 =	vshll.u32 v5, $0x1  }
0xb9: {  	v5 =	vand.u32 $0x7, v5;
	v6 =	vand.u32 $0xFFFFFFF0, v6  }
0xba: {  	v5 =	vor.u32 v5, v6  }
0xbb: {  	v6 =	vperm.xlane v5, v1;
	_ =	sdelay $0x1  }
0xbc: {  	v5 =	vperm.xlane v5, v3;
	v6 =	vadd.s32 v2, v6;
	_ =	sdelay $0x1  }
0xbd: {  	v5 =	vadd.s32 v2, v5;
	_ =	sdelay $0x1  }
0xbe: {  	s23 =	simm.s32 $0x16F80  }
0xbf: {  	[tilespmem:s23], [sflag:$0x4] =	stream.indirect_vreg.gather [hbm4b:s0+s6], $0x80, v6, vm0, $0xb8;
	[tilespmem:$0x1E380] =	vst v63  }
0xc0: {  	s24 =	simm.s32 $0x17780  }
0xc1: {  	[tilespmem:s24], [sflag:$0x4] =	stream.indirect_vreg.gather [hbm4b:s0+s6], $0x80, v5, vm0, $0xb8;
	[tilespmem:$0x1E380] =	vst v63  }
0xc2: {  	v5 =	vld [tilespmem:$0x5060];
	_ =	sdelay $0x4  }
0xc3: {  	v6 =	vshll.u32 v5, $0x1  }
0xc4: {  	v5 =	vand.u32 $0x7, v5;
	v6 =	vand.u32 $0xFFFFFFF0, v6  }
0xc5: {  	v5 =	vor.u32 v5, v6  }
0xc6: {  	v6 =	vperm.xlane v5, v1;
	_ =	sdelay $0x1  }
0xc7: {  	v5 =	vperm.xlane v5, v3;
	v6 =	vadd.s32 v2, v6;
	_ =	sdelay $0x1  }
0xc8: {  	v5 =	vadd.s32 v2, v5;
	_ =	sdelay $0x1  }
0xc9: {  	s23 =	simm.s32 $0x17F80  }
0xca: {  	[tilespmem:s23], [sflag:$0x4] =	stream.indirect_vreg.gather [hbm4b:s0+s6], $0x80, v6, vm0, $0xb8;
	[tilespmem:$0x1E380] =	vst v63  }
0xcb: {  	s24 =	simm.s32 $0x18780  }
0xcc: {  	[tilespmem:s24], [sflag:$0x4] =	stream.indirect_vreg.gather [hbm4b:s0+s6], $0x80, v5, vm0, $0xb8;
	[tilespmem:$0x1E380] =	vst v63  }
0xcd: {  	v5 =	vld [tilespmem:$0x5070];
	_ =	sdelay $0x4  }
0xce: {  	v6 =	vshll.u32 v5, $0x1  }
0xcf: {  	v5 =	vand.u32 $0x7, v5;
	v6 =	vand.u32 $0xFFFFFFF0, v6  }
0xd0: {  	v5 =	vor.u32 v5, v6  }
0xd1: {  	v6 =	vperm.xlane v5, v1;
	_ =	sdelay $0x1  }
0xd2: {  	v5 =	vperm.xlane v5, v3;
	v6 =	vadd.s32 v2, v6;
	_ =	sdelay $0x1  }
0xd3: {  	v5 =	vadd.s32 v2, v5;
	_ =	sdelay $0x1  }
0xd4: {  	s23 =	simm.s32 $0x18F80  }
0xd5: {  	[tilespmem:s23], [sflag:$0x4] =	stream.indirect_vreg.gather [hbm4b:s0+s6], $0x80, v6, vm0, $0xb8;
	[tilespmem:$0x1E380] =	vst v63  }
0xd6: {  	s24 =	simm.s32 $0x19780  }
0xd7: {  	[tilespmem:s24], [sflag:$0x4] =	stream.indirect_vreg.gather [hbm4b:s0+s6], $0x80, v5, vm0, $0xb8;
	[tilespmem:$0x1E380] =	vst v63  }
0xd8: {  	_ =	swait.ge [sflag:s16], $0x4000  }
0xd9: {  	[sflag:s16] =	ssyncset.done $0x0  }
0xda: {  	[sflag:s16] =	ssyncadd.s32 $0xFFFFC000  }
0xdb: {  	v5 =	vld [tilespmem:$0x6380];
	_ =	sdelay $0x4  }
0xdc: {  	v6 =	vshll.u32 v5, $0x1  }
0xdd: {  	v5 =	vand.u32 $0x7, v5;
	v6 =	vand.u32 $0xFFFFFFF0, v6  }
0xde: {  	v5 =	vor.u32 v5, v6  }
0xdf: {  	v6 =	vperm.xlane v5, v1;
	_ =	sdelay $0x1  }
0xe0: {  	v5 =	vperm.xlane v5, v3;
	v6 =	vadd.s32 v2, v6;
	_ =	sdelay $0x1  }
0xe1: {  	v5 =	vadd.s32 v2, v5;
	_ =	sdelay $0x2  }
0xe2: {  	[tilespmem:s3], [sflag:$0x6] =	stream.indirect_vreg.gather [hbm4b:s0+s6], $0x80, v6, vm0, $0xb8;
	[tilespmem:$0x1E380] =	vst v63  }
0xe3: {  	_ = 	snop  }
0xe4: {  	[tilespmem:s7], [sflag:$0x6] =	stream.indirect_vreg.gather [hbm4b:s0+s6], $0x80, v5, vm0, $0xb8;
	[tilespmem:$0x1E380] =	vst v63  }
0xe5: {  	v5 =	vld [tilespmem:$0x6390];
	_ =	sdelay $0x4  }
0xe6: {  	v6 =	vshll.u32 v5, $0x1  }
0xe7: {  	v5 =	vand.u32 $0x7, v5;
	v6 =	vand.u32 $0xFFFFFFF0, v6  }
0xe8: {  	v5 =	vor.u32 v5, v6  }
0xe9: {  	v6 =	vperm.xlane v5, v1;
	_ =	sdelay $0x1  }
0xea: {  	v5 =	vperm.xlane v5, v3;
	v6 =	vadd.s32 v2, v6;
	_ =	sdelay $0x1  }
0xeb: {  	v5 =	vadd.s32 v2, v5;
	_ =	sdelay $0x2  }
0xec: {  	[tilespmem:s15], [sflag:$0x6] =	stream.indirect_vreg.gather [hbm4b:s0+s6], $0x80, v6, vm0, $0xb8;
	[tilespmem:$0x1E380] =	vst v63  }
0xed: {  	_ = 	snop  }
0xee: {  	[tilespmem:s18], [sflag:$0x6] =	stream.indirect_vreg.gather [hbm4b:s0+s6], $0x80, v5, vm0, $0xb8;
	[tilespmem:$0x1E380] =	vst v63  }
0xef: {  	v5 =	vld [tilespmem:$0x63A0];
	_ =	sdelay $0x4  }
0xf0: {  	v6 =	vshll.u32 v5, $0x1  }
0xf1: {  	v5 =	vand.u32 $0x7, v5;
	v6 =	vand.u32 $0xFFFFFFF0, v6  }
0xf2: {  	v5 =	vor.u32 v5, v6  }
0xf3: {  	v6 =	vperm.xlane v5, v1;
	_ =	sdelay $0x1  }
0xf4: {  	v5 =	vperm.xlane v5, v3;
	v6 =	vadd.s32 v2, v6;
	_ =	sdelay $0x1  }
0xf5: {  	v5 =	vadd.s32 v2, v5;
	_ =	sdelay $0x2  }
0xf6: {  	[tilespmem:s19], [sflag:$0x6] =	stream.indirect_vreg.gather [hbm4b:s0+s6], $0x80, v6, vm0, $0xb8;
	[tilespmem:$0x1E380] =	vst v63  }
0xf7: {  	_ = 	snop  }
0xf8: {  	[tilespmem:s20], [sflag:$0x6] =	stream.indirect_vreg.gather [hbm4b:s0+s6], $0x80, v5, vm0, $0xb8;
	[tilespmem:$0x1E380] =	vst v63  }
0xf9: {  	v5 =	vld [tilespmem:$0x63B0];
	_ =	sdelay $0x4  }
0xfa: {  	v6 =	vshll.u32 v5, $0x1  }
0xfb: {  	v5 =	vand.u32 $0x7, v5;
	v6 =	vand.u32 $0xFFFFFFF0, v6  }
0xfc: {  	v5 =	vor.u32 v5, v6  }
0xfd: {  	v6 =	vperm.xlane v5, v1;
	_ =	sdelay $0x1  }
0xfe: {  	v5 =	vperm.xlane v5, v3;
	v6 =	vadd.s32 v2, v6;
	_ =	sdelay $0x1  }
0xff: {  	v5 =	vadd.s32 v2, v5;
	_ =	sdelay $0x2  }
0x100: {  	[tilespmem:s21], [sflag:$0x6] =	stream.indirect_vreg.gather [hbm4b:s0+s6], $0x80, v6, vm0, $0xb8;
	[tilespmem:$0x1E380] =	vst v63  }
0x101: {  	_ = 	snop  }
0x102: {  	[tilespmem:s25], [sflag:$0x6] =	stream.indirect_vreg.gather [hbm4b:s0+s6], $0x80, v5, vm0, $0xb8;
	[tilespmem:$0x1E380] =	vst v63  }
0x103: {  	_ =	swait.ge [sflag:s17], $0x4000  }
0x104: {  	[sflag:s17] =	ssyncset.done $0x0  }
0x105: {  	[sflag:s17] =	ssyncadd.s32 $0xFFFFC000  }
0x106: {  	v5 =	vld [tilespmem:$0x63C0];
	_ =	sdelay $0x4  }
0x107: {  	v6 =	vshll.u32 v5, $0x1  }
0x108: {  	v5 =	vand.u32 $0x7, v5;
	v6 =	vand.u32 $0xFFFFFFF0, v6  }
0x109: {  	v5 =	vor.u32 v5, v6  }
0x10a: {  	v6 =	vperm.xlane v5, v1;
	_ =	sdelay $0x1  }
0x10b: {  	v5 =	vperm.xlane v5, v3;
	v6 =	vadd.s32 v2, v6;
	_ =	sdelay $0x1  }
0x10c: {  	v5 =	vadd.s32 v2, v5;
	_ =	sdelay $0x2  }
0x10d: {  	[tilespmem:s26], [sflag:$0x7] =	stream.indirect_vreg.gather [hbm4b:s0+s6], $0x80, v6, vm0, $0xb8;
	[tilespmem:$0x1E380] =	vst v63  }
0x10e: {  	_ = 	snop  }
0x10f: {  	[tilespmem:s28], [sflag:$0x7] =	stream.indirect_vreg.gather [hbm4b:s0+s6], $0x80, v5, vm0, $0xb8;
	[tilespmem:$0x1E380] =	vst v63  }
0x110: {  	v5 =	vld [tilespmem:$0x63D0];
	_ =	sdelay $0x4  }
0x111: {  	v6 =	vshll.u32 v5, $0x1  }
0x112: {  	v5 =	vand.u32 $0x7, v5;
	v6 =	vand.u32 $0xFFFFFFF0, v6  }
0x113: {  	v5 =	vor.u32 v5, v6  }
0x114: {  	v6 =	vperm.xlane v5, v1;
	_ =	sdelay $0x1  }
0x115: {  	v5 =	vperm.xlane v5, v3;
	v6 =	vadd.s32 v2, v6;
	_ =	sdelay $0x1  }
0x116: {  	v5 =	vadd.s32 v2, v5;
	_ =	sdelay $0x2  }
0x117: {  	[tilespmem:s29], [sflag:$0x7] =	stream.indirect_vreg.gather [hbm4b:s0+s6], $0x80, v6, vm0, $0xb8;
	[tilespmem:$0x1E380] =	vst v63  }
0x118: {  	_ = 	snop  }
0x119: {  	[tilespmem:s30], [sflag:$0x7] =	stream.indirect_vreg.gather [hbm4b:s0+s6], $0x80, v5, vm0, $0xb8;
	[tilespmem:$0x1E380] =	vst v63  }
0x11a: {  	v5 =	vld [tilespmem:$0x63E0];
	_ =	sdelay $0x4  }
0x11b: {  	v6 =	vshll.u32 v5, $0x1  }
0x11c: {  	v5 =	vand.u32 $0x7, v5;
	v6 =	vand.u32 $0xFFFFFFF0, v6  }
0x11d: {  	v5 =	vor.u32 v5, v6  }
0x11e: {  	v6 =	vperm.xlane v5, v1;
	_ =	sdelay $0x1  }
0x11f: {  	v5 =	vperm.xlane v5, v3;
	v6 =	vadd.s32 v2, v6;
	_ =	sdelay $0x1  }
0x120: {  	v5 =	vadd.s32 v2, v5;
	_ =	sdelay $0x2  }
0x121: {  	[tilespmem:s31], [sflag:$0x7] =	stream.indirect_vreg.gather [hbm4b:s0+s6], $0x80, v6, vm0, $0xb8;
	[tilespmem:$0x1E380] =	vst v63  }
0x122: {  	_ = 	snop  }
0x123: {  	[tilespmem:s4], [sflag:$0x7] =	stream.indirect_vreg.gather [hbm4b:s0+s6], $0x80, v5, vm0, $0xb8;
	[tilespmem:$0x1E380] =	vst v63  }
0x124: {  	v5 =	vld [tilespmem:$0x63F0];
	_ =	sdelay $0x4  }
0x125: {  	v6 =	vshll.u32 v5, $0x1  }
0x126: {  	v5 =	vand.u32 $0x7, v5;
	v6 =	vand.u32 $0xFFFFFFF0, v6  }
0x127: {  	v5 =	vor.u32 v5, v6  }
0x128: {  	v6 =	vperm.xlane v5, v1;
	_ =	sdelay $0x1  }
0x129: {  	v5 =	vperm.xlane v5, v3;
	v6 =	vadd.s32 v2, v6;
	_ =	sdelay $0x1  }
0x12a: {  	v5 =	vadd.s32 v2, v5;
	_ =	sdelay $0x2  }
0x12b: {  	[tilespmem:s5], [sflag:$0x7] =	stream.indirect_vreg.gather [hbm4b:s0+s6], $0x80, v6, vm0, $0xb8;
	[tilespmem:$0x1E380] =	vst v63  }
0x12c: {  	s15 =	simm.s32 $0x0  }
0x12d: {  	[tilespmem:s1], [sflag:$0x7] =	stream.indirect_vreg.gather [hbm4b:s0+s6], $0x80, v5, vm0, $0xb8;
	[tilespmem:$0x1E380] =	vst v63  }
.LBB2_2:
0x12e: {  	p0 =	sgt.u32 s15, $0x4B  }
.Ltmp0:
0x12f: {  	_ = 	snop;
	(pc) =	sbr.rel @p0 .LBB2_4-.Ltmp0, $1  }
0x130: {  	_ =	sdelay $0x3  }
0x131: {  	s3 =	sadd.s32 $0x4, s15  }
0x132: {  	s18 =	sshll.u32 s3, $0x6  }
0x133: {  	s18 =	sand.u32 $0x3FFFFFC0, s18  }
0x134: {  	v5 =	vld [tilespmem:s18+$0x4F80];
	_ =	sdelay $0x4  }
0x135: {  	s19 =	smul.u32 $0xCD, s3;
	v6 =	vshll.u32 v5, $0x1  }
0x136: {  	v5 =	vand.u32 $0x7, v5;
	v6 =	vand.u32 $0xFFFFFFF0, v6  }
0x137: {  	s19 =	sshrl.u32 s19, $0xA;
	v5 =	vor.u32 v5, v6  }
0x138: {  	s19 =	sand.u32 $0x3F, s19;
	v6 =	vperm.xlane v5, v1  }
0x139: {  	s19 =	smul.u32 $0x5, s19  }
0x13a: {  	v5 =	vperm.xlane v5, v3;
	v6 =	vadd.s32 v2, v6  }
0x13b: {  	s3 =	ssub.s32 s3, s19  }
0x13c: {  	s3 =	sand.u32 $0xFF, s3;
	v5 =	vadd.s32 v2, v5  }
0x13d: {  	s19 =	sshll.u32 s3, $0xE  }
0x13e: {  	s3 =	sadd.s32 $0x1, s3;
	s20 =	sadd.s32 $0x9F80, s19  }
0x13f: {  	[tilespmem:s20], [sflag:s3] =	stream.indirect_vreg.gather [hbm4b:s0+s6], $0x80, v6, vm0, $0xb8;
	[tilespmem:$0x1E380] =	vst v63  }
0x140: {  	s23 =	sadd.s32 $0xA780, s19  }
0x141: {  	[tilespmem:s23], [sflag:s3] =	stream.indirect_vreg.gather [hbm4b:s0+s6], $0x80, v5, vm0, $0xb8;
	[tilespmem:$0x1E380] =	vst v63  }
0x142: {  	v5 =	vld [tilespmem:s18+$0x4F90];
	_ =	sdelay $0x4  }
0x143: {  	v6 =	vshll.u32 v5, $0x1  }
0x144: {  	v5 =	vand.u32 $0x7, v5;
	v6 =	vand.u32 $0xFFFFFFF0, v6  }
0x145: {  	v5 =	vor.u32 v5, v6  }
0x146: {  	v6 =	vperm.xlane v5, v1;
	_ =	sdelay $0x1  }
0x147: {  	v5 =	vperm.xlane v5, v3;
	v6 =	vadd.s32 v2, v6;
	_ =	sdelay $0x1  }
0x148: {  	v5 =	vadd.s32 v2, v5;
	_ =	sdelay $0x1  }
0x149: {  	s24 =	sadd.s32 $0xAF80, s19  }
0x14a: {  	[tilespmem:s24], [sflag:s3] =	stream.indirect_vreg.gather [hbm4b:s0+s6], $0x80, v6, vm0, $0xb8;
	[tilespmem:$0x1E380] =	vst v63  }
0x14b: {  	s7 =	sadd.s32 $0xB780, s19  }
0x14c: {  	[tilespmem:s7], [sflag:s3] =	stream.indirect_vreg.gather [hbm4b:s0+s6], $0x80, v5, vm0, $0xb8;
	[tilespmem:$0x1E380] =	vst v63  }
0x14d: {  	v5 =	vld [tilespmem:s18+$0x4FA0];
	_ =	sdelay $0x4  }
0x14e: {  	v6 =	vshll.u32 v5, $0x1  }
0x14f: {  	v5 =	vand.u32 $0x7, v5;
	v6 =	vand.u32 $0xFFFFFFF0, v6  }
0x150: {  	v5 =	vor.u32 v5, v6  }
0x151: {  	v6 =	vperm.xlane v5, v1;
	_ =	sdelay $0x1  }
0x152: {  	v5 =	vperm.xlane v5, v3;
	v6 =	vadd.s32 v2, v6;
	_ =	sdelay $0x1  }
0x153: {  	v5 =	vadd.s32 v2, v5;
	_ =	sdelay $0x1  }
0x154: {  	s21 =	sadd.s32 $0xBF80, s19  }
0x155: {  	[tilespmem:s21], [sflag:s3] =	stream.indirect_vreg.gather [hbm4b:s0+s6], $0x80, v6, vm0, $0xb8;
	[tilespmem:$0x1E380] =	vst v63  }
0x156: {  	s22 =	sadd.s32 $0xC780, s19  }
0x157: {  	[tilespmem:s22], [sflag:s3] =	stream.indirect_vreg.gather [hbm4b:s0+s6], $0x80, v5, vm0, $0xb8;
	[tilespmem:$0x1E380] =	vst v63  }
0x158: {  	v5 =	vld [tilespmem:s18+$0x4FB0];
	_ =	sdelay $0x4  }
0x159: {  	v6 =	vshll.u32 v5, $0x1  }
0x15a: {  	v5 =	vand.u32 $0x7, v5;
	v6 =	vand.u32 $0xFFFFFFF0, v6  }
0x15b: {  	v5 =	vor.u32 v5, v6  }
0x15c: {  	v6 =	vperm.xlane v5, v1;
	_ =	sdelay $0x1  }
0x15d: {  	v5 =	vperm.xlane v5, v3;
	v6 =	vadd.s32 v2, v6;
	_ =	sdelay $0x1  }
0x15e: {  	v5 =	vadd.s32 v2, v5  }
.Ltmp1:
0x15f: {  	_ = 	snop;
	(pc) =	sbr.rel .LBB2_5-.Ltmp1, $4  }
0x160: {  	s23 =	sadd.s32 $0xCF80, s19  }
0x161: {  	[tilespmem:s23], [sflag:s3] =	stream.indirect_vreg.gather [hbm4b:s0+s6], $0x80, v6, vm0, $0xb8;
	[tilespmem:$0x1E380] =	vst v63  }
0x162: {  	s24 =	sadd.s32 $0xD780, s19  }
0x163: {  	[tilespmem:s24], [sflag:s3] =	stream.indirect_vreg.gather [hbm4b:s0+s6], $0x80, v5, vm0, $0xb8;
	[tilespmem:$0x1E380] =	vst v63  }
.LBB2_4:
0x164: {  	p0 =	sgt.u32 s15, $0x4D  }
.Ltmp2:
0x165: {  	_ = 	snop;
	(pc) =	sbr.rel @p0 .LBB2_6-.Ltmp2, $1  }
0x166: {  	_ =	sdelay $0x3  }
.LBB2_5:
0x167: {  	s3 =	sadd.s32 $0x2, s15  }
0x168: {  	s18 =	smul.u32 $0xCD, s3;
	_ =	sdelay $0x1  }
0x169: {  	s18 =	sshrl.u32 s18, $0xA  }
0x16a: {  	s18 =	sand.u32 $0x3F, s18  }
0x16b: {  	s18 =	smul.u32 $0x5, s18;
	_ =	sdelay $0x1  }
0x16c: {  	s18 =	ssub.s32 s3, s18  }
0x16d: {  	s18 =	sand.u32 $0xFF, s18  }
0x16e: {  	s19 =	sadd.s32 $0x1, s18  }
0x16f: {  	_ =	swait.ge [sflag:s19], $0x4000  }
0x170: {  	s3 =	sshll.u32 s3, $0x6;
	[sflag:s19] =	ssyncset.done $0x0  }
0x171: {  	s3 =	sand.u32 $0x3FFFFFC0, s3;
	[sflag:s19] =	ssyncadd.s32 $0xFFFFC000  }
0x172: {  	v5 =	vld [tilespmem:s3+$0x6380];
	_ =	sdelay $0x4  }
0x173: {  	v6 =	vshll.u32 v5, $0x1  }
0x174: {  	v5 =	vand.u32 $0x7, v5;
	v6 =	vand.u32 $0xFFFFFFF0, v6  }
0x175: {  	v5 =	vor.u32 v5, v6  }
0x176: {  	v6 =	vperm.xlane v5, v1;
	_ =	sdelay $0x1  }
0x177: {  	v5 =	vperm.xlane v5, v3;
	v6 =	vadd.s32 v2, v6;
	_ =	sdelay $0x1  }
0x178: {  	v5 =	vadd.s32 v2, v5  }
0x179: {  	s19 =	sshll.u32 s18, $0xE  }
0x17a: {  	s18 =	sadd.s32 $0x6, s18;
	s20 =	sadd.s32 $0x9F80, s19  }
0x17b: {  	[tilespmem:s20], [sflag:s18] =	stream.indirect_vreg.gather [hbm4b:s0+s6], $0x80, v6, vm0, $0xb8;
	[tilespmem:$0x1E380] =	vst v63  }
0x17c: {  	s23 =	sadd.s32 $0xA780, s19  }
0x17d: {  	[tilespmem:s23], [sflag:s18] =	stream.indirect_vreg.gather [hbm4b:s0+s6], $0x80, v5, vm0, $0xb8;
	[tilespmem:$0x1E380] =	vst v63  }
0x17e: {  	v5 =	vld [tilespmem:s3+$0x6390];
	_ =	sdelay $0x4  }
0x17f: {  	v6 =	vshll.u32 v5, $0x1  }
0x180: {  	v5 =	vand.u32 $0x7, v5;
	v6 =	vand.u32 $0xFFFFFFF0, v6  }
0x181: {  	v5 =	vor.u32 v5, v6  }
0x182: {  	v6 =	vperm.xlane v5, v1;
	_ =	sdelay $0x1  }
0x183: {  	v5 =	vperm.xlane v5, v3;
	v6 =	vadd.s32 v2, v6;
	_ =	sdelay $0x1  }
0x184: {  	v5 =	vadd.s32 v2, v5;
	_ =	sdelay $0x1  }
0x185: {  	s24 =	sadd.s32 $0xAF80, s19  }
0x186: {  	[tilespmem:s24], [sflag:s18] =	stream.indirect_vreg.gather [hbm4b:s0+s6], $0x80, v6, vm0, $0xb8;
	[tilespmem:$0x1E380] =	vst v63  }
0x187: {  	s7 =	sadd.s32 $0xB780, s19  }
0x188: {  	[tilespmem:s7], [sflag:s18] =	stream.indirect_vreg.gather [hbm4b:s0+s6], $0x80, v5, vm0, $0xb8;
	[tilespmem:$0x1E380] =	vst v63  }
0x189: {  	v5 =	vld [tilespmem:s3+$0x63A0];
	_ =	sdelay $0x4  }
0x18a: {  	v6 =	vshll.u32 v5, $0x1  }
0x18b: {  	v5 =	vand.u32 $0x7, v5;
	v6 =	vand.u32 $0xFFFFFFF0, v6  }
0x18c: {  	v5 =	vor.u32 v5, v6  }
0x18d: {  	v6 =	vperm.xlane v5, v1;
	_ =	sdelay $0x1  }
0x18e: {  	v5 =	vperm.xlane v5, v3;
	v6 =	vadd.s32 v2, v6;
	_ =	sdelay $0x1  }
0x18f: {  	v5 =	vadd.s32 v2, v5;
	_ =	sdelay $0x1  }
0x190: {  	s21 =	sadd.s32 $0xBF80, s19  }
0x191: {  	[tilespmem:s21], [sflag:s18] =	stream.indirect_vreg.gather [hbm4b:s0+s6], $0x80, v6, vm0, $0xb8;
	[tilespmem:$0x1E380] =	vst v63  }
0x192: {  	s22 =	sadd.s32 $0xC780, s19  }
0x193: {  	[tilespmem:s22], [sflag:s18] =	stream.indirect_vreg.gather [hbm4b:s0+s6], $0x80, v5, vm0, $0xb8;
	[tilespmem:$0x1E380] =	vst v63  }
0x194: {  	v5 =	vld [tilespmem:s3+$0x63B0];
	_ =	sdelay $0x4  }
0x195: {  	v6 =	vshll.u32 v5, $0x1  }
0x196: {  	v5 =	vand.u32 $0x7, v5;
	v6 =	vand.u32 $0xFFFFFFF0, v6  }
0x197: {  	v5 =	vor.u32 v5, v6  }
0x198: {  	v6 =	vperm.xlane v5, v1;
	_ =	sdelay $0x1  }
0x199: {  	v5 =	vperm.xlane v5, v3;
	v6 =	vadd.s32 v2, v6;
	_ =	sdelay $0x1  }
0x19a: {  	v5 =	vadd.s32 v2, v5;
	_ =	sdelay $0x1  }
0x19b: {  	s23 =	sadd.s32 $0xCF80, s19  }
0x19c: {  	[tilespmem:s23], [sflag:s18] =	stream.indirect_vreg.gather [hbm4b:s0+s6], $0x80, v6, vm0, $0xb8;
	[tilespmem:$0x1E380] =	vst v63  }
0x19d: {  	s24 =	sadd.s32 $0xD780, s19  }
0x19e: {  	[tilespmem:s24], [sflag:s18] =	stream.indirect_vreg.gather [hbm4b:s0+s6], $0x80, v5, vm0, $0xb8;
	[tilespmem:$0x1E380] =	vst v63  }
.LBB2_6:
0x19f: {  	s3 =	smul.u32 $0xCD, s15;
	_ =	sdelay $0x1  }
0x1a0: {  	s3 =	sshrl.u32 s3, $0xA  }
0x1a1: {  	s3 =	sand.u32 $0x3F, s3  }
0x1a2: {  	s3 =	smul.u32 $0x5, s3;
	_ =	sdelay $0x1  }
0x1a3: {  	s3 =	ssub.s32 s15, s3  }
0x1a4: {  	s19 =	simm.s32 $0x0;
	s3 =	sand.u32 $0xFF, s3  }
0x1a5: {  	s20 =	simm.s32 $0x80;
	s18 =	sadd.s32 $0x6, s3;
	s3 =	sshll.u32 s3, $0xE  }
0x1a6: {  	s21 =	sand.u32 $0x3800, s19;
	_ =	swait.ge [sflag:s18], $0x4000;
	s3 =	sadd.s32 $0x9F80, s3  }
0x1a7: {  	s20 =	sand.u32 $0x380, s20;
	[sflag:s18] =	ssyncset.done $0x0;
	s21 =	sadd.s32 s21, s3  }
0x1a8: {  	[sflag:s18] =	ssyncadd.s32 $0xFFFFC000;
	s20 =	sadd.s32 s20, s21  }
0x1a9: {  	v5 =	vld [tilespmem:s20+$0x440]  }
0x1aa: {  	v6 =	vld [tilespmem:s20+$0x450]  }
0x1ab: {  	v7 =	vld [tilespmem:s20+$0x400]  }
0x1ac: {  	v8 =	vld [tilespmem:s20+$0x410]  }
0x1ad: {  	v9 =	vld [tilespmem:s20+$0x0]  }
0x1ae: {  	v10 =	vld [tilespmem:s20+$0x10]  }
0x1af: {  	v11 =	vld [tilespmem:s20+$0x20]  }
0x1b0: {  	v12 =	vld [tilespmem:s20+$0x30]  }
0x1b1: {  	v13 =	vld [tilespmem:s20+$0x40]  }
0x1b2: {  	v14 =	vld [tilespmem:s20+$0x50]  }
0x1b3: {  	v15 =	vld [tilespmem:s20+$0x60]  }
0x1b4: {  	v16 =	vld [tilespmem:s20+$0x70]  }
0x1b5: {  	v17 =	vld [tilespmem:s20+$0x420]  }
0x1b6: {  	s22 =	simm.s32 $0x0;
	v18 =	vld [tilespmem:s20+$0x430]  }
0x1b7: {  	s18 =	sand.u32 $0x300, s22;
	v19 =	vld [tilespmem:s20+$0x460]  }
0x1b8: {  	s18 =	sadd.s32 s18, s21;
	v20 =	vld [tilespmem:s20+$0x470]  }
0x1b9: {  	v21 =	vld [tilespmem:s18+$0x0]  }
0x1ba: {  	v22 =	vld [tilespmem:s18+$0x10];
	v9 =	vmul.f32 v9, v9;
	v10 =	vmul.f32 v10, v10  }
0x1bb: {  	v23 =	vld [tilespmem:s18+$0x20];
	v11 =	vmul.f32 v11, v11;
	v13 =	vmul.f32 v13, v13  }
0x1bc: {  	v60 =	vld [tilespmem:s18+$0x450];
	v14 =	vmul.f32 v14, v14;
	v15 =	vmul.f32 v15, v15  }
0x1bd: {  	v12 =	vmul.f32 v12, v12;
	v16 =	vmul.f32 v16, v16;
	v9 =	vadd.f32 v13, v9;
	v13 =	vld [tilespmem:s18+$0x30]  }
0x1be: {  	v7 =	vmul.f32 v7, v7;
	v5 =	vmul.f32 v5, v5;
	v10 =	vadd.f32 v14, v10;
	v14 =	vld [tilespmem:s18+$0x40]  }
0x1bf: {  	v8 =	vmul.f32 v8, v8;
	v6 =	vmul.f32 v6, v6;
	v11 =	vadd.f32 v15, v11;
	v15 =	vld [tilespmem:s18+$0x50]  }
0x1c0: {  	v12 =	vadd.f32 v16, v12;
	v16 =	vmul.f32 v17, v17;
	v17 =	vmul.f32 v18, v18;
	v18 =	vld [tilespmem:s18+$0x70]  }
0x1c1: {  	v7 =	vadd.f32 v7, v9;
	v9 =	vld [tilespmem:s18+$0x60];
	v8 =	vadd.f32 v8, v10;
	v10 =	vmul.f32 v19, v19  }
0x1c2: {  	v11 =	vadd.f32 v16, v11;
	v12 =	vadd.f32 v17, v12;
	v16 =	vmul.f32 v20, v20;
	v17 =	vld [tilespmem:s18+$0x400]  }
0x1c3: {  	v58 =	vmul.f32 v22, v22;
	v19 =	vld [tilespmem:s18+$0x430];
	v7 =	vadd.f32 v5, v7;
	v6 =	vadd.f32 v6, v8  }
0x1c4: {  	v8 =	vld [tilespmem:s18+$0x410];
	v10 =	vadd.f32 v10, v11;
	v11 =	vadd.f32 v16, v12;
	v16 =	vmul.f32 v21, v21  }
0x1c5: {  	s20 =	simm.s32 $0x200;
	v12 =	vld [tilespmem:s18+$0x420];
	v5 =	vmul.u32 $0x40, v0;
	v14 =	vmul.f32 v14, v14;
	v13 =	vmul.f32 v13, v13  }
0x1c6: {  	s23 =	simm.s32 $0x1;
	s21 =	simm.s32 $0x180;
	s22 =	sand.u32 $0x3800, s20;
	v15 =	vmul.f32 v15, v15;
	v6 =	vadd.f32 v6, v7;
	v7 =	vadd.f32 v11, v10;
	v10 =	vld [tilespmem:s18+$0x440]  }
0x1c7: {  	s22 =	sadd.s32 s22, s3;
	v59 =	vor.u32 s23, v5;
	s23 =	sand.u32 $0x380, s21;
	v14 =	vadd.f32 v14, v16;
	v16 =	vmul.f32 v18, v18;
	v18 =	vld [tilespmem:s18+$0x470]  }
0x1c8: {  	v11 =	vmul.f32 v23, v23;
	v9 =	vmul.f32 v9, v9;
	s23 =	sadd.s32 s23, s22;
	v61 =	vadd.f32 v7, v6;
	v6 =	vld [tilespmem:s18+$0x460]  }
0x1c9: {  	v15 =	vadd.f32 v15, v58;
	v17 =	vmul.f32 v17, v17;
	v7 =	vld [tilespmem:s23+$0x440];
	v62 =	vmul.f32 v8, v8  }
0x1ca: {  	v11 =	vadd.f32 v9, v11;
	v13 =	vadd.f32 v16, v13;
	v12 =	vmul.f32 v12, v12;
	v8 =	vld [tilespmem:s23+$0x450]  }
0x1cb: {  	v14 =	vadd.f32 v17, v14;
	v16 =	vmul.f32 v19, v19;
	v9 =	vld [tilespmem:s23+$0x400];
	v19 =	vmul.f32 v60, v60  }
0x1cc: {  	v15 =	vadd.f32 v62, v15;
	v17 =	vadd.f32 v12, v11;
	v12 =	vmul.f32 v10, v10;
	v10 =	vld [tilespmem:s23+$0x410]  }
0x1cd: {  	v16 =	vadd.f32 v16, v13;
	v11 =	vld [tilespmem:s23+$0x0];
	v18 =	vmul.f32 v18, v18;
	v6 =	vmul.f32 v6, v6  }
0x1ce: {  	v13 =	vld [tilespmem:s23+$0x20];
	v63 =	vadd.f32 v12, v14;
	v15 =	vadd.f32 v19, v15  }
0x1cf: {  	s24 =	simm.s32 $0x100;
	v12 =	vld [tilespmem:s23+$0x10];
	v18 =	vadd.f32 v18, v16;
	v17 =	vadd.f32 v6, v17  }
0x1d0: {  	s24 =	sand.u32 $0x300, s24;
	v14 =	vld [tilespmem:s23+$0x30];
	v6 =	vor.u32 s19, v5  }
0x1d1: {  	s18 =	simm.s32 $0x2;
	[tilespmem:v59+s2+$0x0] =	vst.idx.msk $0xffff, v61;
	s19 =	sadd.s32 s24, s22;
	v16 =	vadd.f32 v15, v63;
	v15 =	vld [tilespmem:s23+$0x40];
	s22 =	simm.s32 $0x4;
	v17 =	vadd.f32 v18, v17  }
.LBB2_7:
0x1d2: {  	p0 =	slt.u32 s22, $0x3E;
	v18 =	vld [tilespmem:s23+$0x50]  }
0x1d3: {  	v19 =	vld [tilespmem:s23+$0x60];
	v16 =	vadd.f32 v17, v16  }
0x1d4: {  	v7 =	vmul.f32 v7, v7;
	v8 =	vmul.f32 v8, v8;
	v17 =	vld [tilespmem:s23+$0x70]  }
0x1d5: {  	v9 =	vmul.f32 v9, v9;
	v10 =	vmul.f32 v10, v10;
	v20 =	vld [tilespmem:s23+$0x420];
	[tilespmem:v6+s2+$0x0] =	vst.idx.msk $0xffff, v16  }
0x1d6: {  	v6 =	vmul.f32 v11, v11;
	v11 =	vmul.f32 v12, v12;
	v12 =	vld [tilespmem:s23+$0x430]  }
0x1d7: {  	v13 =	vmul.f32 v13, v13;
	v14 =	vmul.f32 v14, v14;
	v16 =	vld [tilespmem:s23+$0x460]  }
0x1d8: {  	v15 =	vmul.f32 v15, v15;
	v18 =	vmul.f32 v18, v18;
	v21 =	vld [tilespmem:s23+$0x470]  }
0x1d9: {  	v19 =	vmul.f32 v19, v19;
	v22 =	vld [tilespmem:s19+$0x0];
	v17 =	vmul.f32 v17, v17  }
0x1da: {  	v6 =	vadd.f32 v15, v6;
	v11 =	vadd.f32 v18, v11;
	v23 =	vld [tilespmem:s19+$0x10];
	v15 =	vmul.f32 v20, v20  }
0x1db: {  	v13 =	vadd.f32 v19, v13;
	v18 =	vld [tilespmem:s19+$0x20];
	v14 =	vadd.f32 v17, v14;
	v12 =	vmul.f32 v12, v12  }
0x1dc: {  	v6 =	vadd.f32 v9, v6;
	v9 =	vadd.f32 v10, v11;
	v17 =	vld [tilespmem:s19+$0x30];
	v10 =	vmul.f32 v16, v16  }
0x1dd: {  	v13 =	vadd.f32 v15, v13;
	v11 =	vld [tilespmem:s19+$0x40];
	v12 =	vadd.f32 v12, v14;
	v14 =	vmul.f32 v21, v21  }
0x1de: {  	v6 =	vadd.f32 v7, v6;
	v7 =	vadd.f32 v8, v9;
	v15 =	vld [tilespmem:s19+$0x50]  }
0x1df: {  	s23 =	sadd.s32 $0x1, s18;
	v8 =	vmul.f32 v22, v22;
	v10 =	vadd.f32 v10, v13;
	v9 =	vld [tilespmem:s19+$0x60];
	v12 =	vadd.f32 v14, v12  }
0x1e0: {  	v13 =	vmul.f32 v23, v23;
	v14 =	vmul.f32 v18, v18;
	v16 =	vld [tilespmem:s19+$0x70];
	v18 =	vor.u32 s23, v5  }
0x1e1: {  	v7 =	vadd.f32 v7, v6;
	v17 =	vmul.f32 v17, v17;
	v19 =	vld [tilespmem:s19+$0x400];
	v10 =	vadd.f32 v12, v10  }
0x1e2: {  	v6 =	vor.u32 s18, v5;
	s18 =	smov.u32 s22;
	v11 =	vmul.f32 v11, v11;
	v12 =	vld [tilespmem:s19+$0x410]  }
0x1e3: {  	v15 =	vmul.f32 v15, v15;
	v20 =	vld [tilespmem:s19+$0x420];
	v7 =	vadd.f32 v10, v7  }
0x1e4: {  	v8 =	vadd.f32 v11, v8;
	v9 =	vmul.f32 v9, v9;
	v10 =	vld [tilespmem:s19+$0x430]  }
0x1e5: {  	s20 =	sadd.s32 $0x200, s20;
	v11 =	vadd.f32 v15, v13;
	v13 =	vmul.f32 v16, v16;
	v15 =	vld [tilespmem:s19+$0x440];
	[tilespmem:v18+s2+$0x0] =	vst.idx.msk $0xffff, v7  }
0x1e6: {  	s21 =	sadd.s32 $0x100, s21;
	s23 =	sand.u32 $0x3800, s20;
	v9 =	vadd.f32 v9, v14;
	v7 =	vmul.f32 v19, v19;
	v14 =	vld [tilespmem:s19+$0x450]  }
0x1e7: {  	s24 =	sadd.s32 $0xFFFFFF80, s21;
	s7 =	sadd.s32 s23, s3;
	s23 =	sand.u32 $0x380, s21;
	v13 =	vadd.f32 v13, v17;
	v12 =	vmul.f32 v12, v12;
	v16 =	vld [tilespmem:s19+$0x460]  }
0x1e8: {  	s24 =	sand.u32 $0x300, s24;
	s23 =	sadd.s32 s23, s7;
	v17 =	vadd.f32 v7, v8;
	v18 =	vmul.f32 v20, v20;
	v19 =	vld [tilespmem:s19+$0x470]  }
0x1e9: {  	s19 =	sadd.s32 s24, s7;
	v7 =	vld [tilespmem:s23+$0x440];
	v12 =	vadd.f32 v12, v11;
	v10 =	vmul.f32 v10, v10  }
0x1ea: {  	v8 =	vld [tilespmem:s23+$0x450];
	v18 =	vadd.f32 v18, v9;
	v11 =	vmul.f32 v15, v15  }
0x1eb: {  	v9 =	vld [tilespmem:s23+$0x400];
	v15 =	vadd.f32 v10, v13;
	v13 =	vmul.f32 v14, v14  }
0x1ec: {  	v10 =	vld [tilespmem:s23+$0x410];
	v14 =	vadd.f32 v11, v17;
	v16 =	vmul.f32 v16, v16  }
.Ltmp3:
0x1ed: {  	v11 =	vld [tilespmem:s23+$0x0];
	v17 =	vadd.f32 v13, v12;
	v19 =	vmul.f32 v19, v19;
	(pc) =	sbr.rel @p0 .LBB2_7-.Ltmp3, $4  }
0x1ee: {  	v12 =	vld [tilespmem:s23+$0x10];
	v18 =	vadd.f32 v16, v18  }
0x1ef: {  	v13 =	vld [tilespmem:s23+$0x20];
	v19 =	vadd.f32 v19, v15;
	v16 =	vadd.f32 v17, v14  }
0x1f0: {  	v14 =	vld [tilespmem:s23+$0x30]  }
0x1f1: {  	s22 =	sadd.s32 $0x2, s22;
	v15 =	vld [tilespmem:s23+$0x40];
	v17 =	vadd.f32 v19, v18  }
0x1f2: {  	v18 =	vld [tilespmem:s23+$0x50]  }
0x1f3: {  	v19 =	vld [tilespmem:s23+$0x60]  }
0x1f4: {  	v20 =	vld [tilespmem:s23+$0x70]  }
0x1f5: {  	v21 =	vld [tilespmem:s23+$0x420]  }
0x1f6: {  	v22 =	vld [tilespmem:s23+$0x430]  }
0x1f7: {  	v23 =	vld [tilespmem:s23+$0x460]  }
0x1f8: {  	v24 =	vld [tilespmem:s23+$0x470]  }
0x1f9: {  	v25 =	vld [tilespmem:s19+$0x0];
	v11 =	vmul.f32 v11, v11;
	v9 =	vmul.f32 v9, v9  }
0x1fa: {  	v26 =	vld [tilespmem:s19+$0x10];
	v10 =	vmul.f32 v10, v10;
	v7 =	vmul.f32 v7, v7  }
0x1fb: {  	v27 =	vld [tilespmem:s19+$0x20];
	v8 =	vmul.f32 v8, v8;
	v12 =	vmul.f32 v12, v12  }
0x1fc: {  	v28 =	vld [tilespmem:s19+$0x30];
	v13 =	vmul.f32 v13, v13;
	v14 =	vmul.f32 v14, v14  }
0x1fd: {  	v57 =	vld [tilespmem:s19+$0x40];
	v15 =	vmul.f32 v15, v15;
	v56 =	vmul.f32 v18, v18  }
0x1fe: {  	v59 =	vld [tilespmem:s19+$0x60];
	v19 =	vmul.f32 v19, v19;
	v20 =	vmul.f32 v20, v20  }
0x1ff: {  	v60 =	vld [tilespmem:s19+$0x70];
	v21 =	vmul.f32 v21, v21;
	v61 =	vmul.f32 v22, v22  }
0x200: {  	v58 =	vld [tilespmem:s19+$0x50];
	v32 =	vmul.f32 v23, v23;
	v33 =	vmul.f32 v24, v24  }
0x201: {  	v62 =	vld [tilespmem:s19+$0x400];
	v35 =	vmul.f32 v25, v25;
	v36 =	vmul.f32 v26, v26  }
0x202: {  	v63 =	vld [tilespmem:s19+$0x410];
	v38 =	vmul.f32 v27, v27;
	v18 =	vmul.f32 v57, v57  }
0x203: {  	v37 =	vld [tilespmem:s19+$0x440];
	v16 =	vadd.f32 v17, v16;
	v40 =	vmul.f32 v28, v28;
	v17 =	vmul.f32 v59, v59  }
0x204: {  	v39 =	vld [tilespmem:s19+$0x450];
	v42 =	vmul.f32 v60, v60;
	v11 =	vadd.f32 v15, v11;
	v12 =	vadd.f32 v56, v12  }
0x205: {  	v31 =	vld [tilespmem:s19+$0x420];
	v15 =	vmul.f32 v58, v58;
	v13 =	vadd.f32 v19, v13;
	v14 =	vadd.f32 v20, v14  }
0x206: {  	v34 =	vld [tilespmem:s19+$0x430];
	v22 =	vmul.f32 v62, v62;
	v17 =	vadd.f32 v17, v38;
	v9 =	vadd.f32 v9, v11  }
0x207: {  	v41 =	vld [tilespmem:s19+$0x460];
	v15 =	vadd.f32 v15, v36;
	v11 =	vmul.f32 v63, v63;
	v10 =	vadd.f32 v10, v12  }
0x208: {  	v43 =	vld [tilespmem:s19+$0x470];
	v44 =	vmul.f32 v37, v37;
	v29 =	vadd.f32 v21, v13;
	v30 =	vadd.f32 v61, v14  }
0x209: {  	v45 =	vmul.f32 v39, v39;
	v7 =	vadd.f32 v7, v9;
	v11 =	vadd.f32 v11, v15  }
0x20a: {  	v14 =	vmul.f32 v31, v31;
	v8 =	vadd.f32 v8, v10;
	v12 =	vadd.f32 v32, v29  }
0x20b: {  	v9 =	vmul.f32 v34, v34;
	v10 =	vadd.f32 v18, v35;
	v18 =	vadd.f32 v42, v40  }
0x20c: {  	v46 =	vmul.f32 v41, v41;
	v13 =	vadd.f32 v33, v30;
	v14 =	vadd.f32 v14, v17  }
0x20d: {  	v19 =	vmul.f32 v43, v43;
	v10 =	vadd.f32 v22, v10;
	v9 =	vadd.f32 v9, v18  }
0x20e: {  	s3 =	sadd.s32 $0x1, s18;
	v11 =	vadd.f32 v45, v11;
	v14 =	vadd.f32 v46, v14  }
0x20f: {  	v47 =	vor.u32 s3, v5;
	v10 =	vadd.f32 v44, v10;
	v9 =	vadd.f32 v19, v9  }
0x210: {  	v5 =	vor.u32 s18, v5;
	v7 =	vadd.f32 v8, v7;
	v48 =	vadd.f32 v13, v12  }
0x211: {  	v10 =	vadd.f32 v11, v10;
	v9 =	vadd.f32 v9, v14  }
0x212: {  	v7 =	vadd.f32 v48, v7  }
0x213: {  	[tilespmem:v6+s2+$0x0] =	vst.idx.msk $0xffff, v16;
	v6 =	vadd.f32 v9, v10  }
0x214: {  	[tilespmem:v47+s2+$0x0] =	vst.idx.msk $0xffff, v7  }
0x215: {  	[tilespmem:v5+s2+$0x0] =	vst.idx.msk $0xffff, v6  }
0x216: {  	v5 =	vld [tilespmem:$0x1DF80]  }
0x217: {  	v6 =	vld [tilespmem:$0x1DFC0]  }
0x218: {  	v7 =	vld [tilespmem:$0x1E000]  }
0x219: {  	v49 =	vld [tilespmem:$0x1E040]  }
0x21a: {  	v50 =	vld [tilespmem:$0x1E080]  }
0x21b: {  	v51 =	vld [tilespmem:$0x1E0C0]  }
0x21c: {  	v52 =	vld [tilespmem:$0x1E100]  }
0x21d: {  	v53 =	vld [tilespmem:$0x1E140]  }
0x21e: {  	v54 =	vld [tilespmem:$0x1E180]  }
0x21f: {  	v55 =	vld [tilespmem:$0x1E1C0]  }
0x220: {  	v15 =	vld [tilespmem:$0x1E200]  }
0x221: {  	v16 =	vld [tilespmem:$0x1E240]  }
0x222: {  	v56 =	vld [tilespmem:$0x1E280]  }
0x223: {  	v57 =	vld [tilespmem:$0x1E2C0]  }
0x224: {  	v58 =	vld [tilespmem:$0x1E300]  }
0x225: {  	s24 =	sshll.u32 s15, $0x6;
	v59 =	vld [tilespmem:$0x1E340]  }
0x226: {  	v60 =	vld [tilespmem:s24+$0x4F80];
	_ =	sdelay $0x1  }
0x227: {  	v5 =	vadd.f32 v6, v5;
	v6 =	vadd.f32 v49, v7;
	v7 =	vld [tilespmem:s24+$0x6380]  }
0x228: {  	v61 =	vadd.f32 v51, v50;
	v62 =	vadd.f32 v53, v52  }
0x229: {  	v63 =	vadd.f32 v55, v54;
	v16 =	vadd.f32 v16, v15  }
0x22a: {  	v22 =	vadd.f32 v57, v56;
	v23 =	vadd.f32 v59, v58  }
0x22b: {  	v5 =	vadd.f32 v6, v5;
	v6 =	vadd.f32 v62, v61  }
0x22c: {  	v24 =	vadd.f32 v16, v63;
	v25 =	vadd.f32 v23, v22  }
0x22d: {  	v26 =	vld.idx.msk [tilespmem:v60+s13+$0x0], $0xffff  }
0x22e: {  	v5 =	vadd.f32 v6, v5;
	v6 =	vadd.f32 v25, v24  }
0x22f: {  	v27 =	vld.idx.msk [tilespmem:v7+s13+$0x0], $0xffff  }
0x230: {  	v5 =	vadd.f32 v6, v5;
	_ =	sdelay $0x1  }
0x231: {  	v5 =	vsub.f32 v5, v26;
	_ =	sdelay $0x1  }
0x232: {  	v5 =	vsub.f32 v5, v27;
	_ =	sdelay $0x1  }
0x233: {  	v5 =	vmul.f32 $5.000000000e-01, v5;
	_ =	sdelay $0x1  }
0x234: {  	v6 =	vsub.f32 $0.0e+00, v5;
	_ =	sdelay $0x1  }
0x235: {  	v6 =	vmul.f32 $1.442695020e+00, v6;
	_ =	sdelay $0x1  }
0x236: {  	(erf) = vpow2.f32 v6  }
0x237: {  	v7 =	vld.idx.msk [tilespmem:v7+s6+$0x0], $0xffff  }
0x238: {  	v6 =	vld.idx.msk [tilespmem:v60+s6+$0x0], $0xffff;
	_ =	sdelay $0x4  }
0x239: {  	v6 =	vadd.f32 v7, v6;
	_ =	sdelay $0x1  }
0x23a: {  	v6 =	vsub.f32 $0.0e+00, v6;
	v7 =	vpop (erf)  }
0x23b: {  	v7 =	vadd.f32 $1.000000000e+00, v7  }
0x23c: {  	v6 =	vmul.f32 $1.442695020e+00, v6  }
0x23d: {  	(erf) = vrcp.f32 v7  }
0x23e: {  	(erf) = vpow2.f32 v6;
	_ =	sdelay $0x7  }
0x23f: {  	v6 =	vpop (erf)  }
0x240: {  	v7 =	vpop (erf)  }
0x241: {  	v28 =	vld [tilespmem:s24+$0x7780];
	v7 =	vadd.f32 $1.000000000e+00, v7;
	_ =	sdelay $0x1  }
0x242: {  	(erf) = vrcp.f32 v7;
	_ =	sdelay $0x2  }
0x243: {  	v5 =	vadd.f32 v28, v5;
	_ =	sdelay $0x1  }
0x244: {  	v5 =	vmul.f32 v5, v4;
	_ =	sdelay $0x3  }
0x245: {  	vm1 =	vge.f32 v5, $0.0e+00;
	v5 =	vpop (erf)  }
0x246: {  	v5 =	vsel vm1, v6, v5  }
0x247: {  	v42 =	vld [tilespmem:s24+$0x4F90];
	[tilespmem:s24+$0x8B80] =	vst v5  }
0x248: {  	v5 =	vld [tilespmem:$0x1DF90]  }
0x249: {  	v6 =	vld [tilespmem:$0x1DFD0]  }
0x24a: {  	v7 =	vld [tilespmem:$0x1E010]  }
0x24b: {  	v29 =	vld [tilespmem:$0x1E050]  }
0x24c: {  	v30 =	vld [tilespmem:$0x1E090]  }
0x24d: {  	v31 =	vld [tilespmem:$0x1E0D0]  }
0x24e: {  	v32 =	vld [tilespmem:$0x1E110]  }
0x24f: {  	v33 =	vld [tilespmem:$0x1E150]  }
0x250: {  	v34 =	vld [tilespmem:$0x1E190]  }
0x251: {  	v35 =	vld [tilespmem:$0x1E1D0]  }
0x252: {  	v36 =	vld [tilespmem:$0x1E210]  }
0x253: {  	v37 =	vld [tilespmem:$0x1E250]  }
0x254: {  	v38 =	vld [tilespmem:$0x1E290]  }
0x255: {  	v39 =	vld [tilespmem:$0x1E2D0]  }
0x256: {  	v40 =	vld [tilespmem:$0x1E310]  }
0x257: {  	v41 =	vld [tilespmem:$0x1E350];
	_ =	sdelay $0x1  }
0x258: {  	v5 =	vadd.f32 v6, v5;
	v6 =	vadd.f32 v29, v7;
	v7 =	vld [tilespmem:s24+$0x6390]  }
0x259: {  	v43 =	vadd.f32 v31, v30;
	v44 =	vadd.f32 v33, v32  }
0x25a: {  	v45 =	vadd.f32 v35, v34;
	v46 =	vadd.f32 v37, v36  }
0x25b: {  	v47 =	vadd.f32 v39, v38;
	v48 =	vadd.f32 v41, v40  }
0x25c: {  	v5 =	vadd.f32 v6, v5;
	v6 =	vadd.f32 v44, v43  }
0x25d: {  	v49 =	vadd.f32 v46, v45;
	v50 =	vadd.f32 v48, v47  }
0x25e: {  	v51 =	vld.idx.msk [tilespmem:v42+s13+$0x0], $0xffff  }
0x25f: {  	v5 =	vadd.f32 v6, v5;
	v6 =	vadd.f32 v50, v49  }
0x260: {  	v52 =	vld.idx.msk [tilespmem:v7+s13+$0x0], $0xffff  }
0x261: {  	v5 =	vadd.f32 v6, v5;
	_ =	sdelay $0x1  }
0x262: {  	v5 =	vsub.f32 v5, v51;
	_ =	sdelay $0x1  }
0x263: {  	v5 =	vsub.f32 v5, v52;
	_ =	sdelay $0x1  }
0x264: {  	v5 =	vmul.f32 $5.000000000e-01, v5;
	_ =	sdelay $0x1  }
0x265: {  	v6 =	vsub.f32 $0.0e+00, v5;
	_ =	sdelay $0x1  }
0x266: {  	v6 =	vmul.f32 $1.442695020e+00, v6;
	_ =	sdelay $0x1  }
0x267: {  	(erf) = vpow2.f32 v6  }
0x268: {  	v7 =	vld.idx.msk [tilespmem:v7+s6+$0x0], $0xffff  }
0x269: {  	v6 =	vld.idx.msk [tilespmem:v42+s6+$0x0], $0xffff;
	_ =	sdelay $0x4  }
0x26a: {  	v6 =	vadd.f32 v7, v6;
	_ =	sdelay $0x1  }
0x26b: {  	v6 =	vsub.f32 $0.0e+00, v6;
	v7 =	vpop (erf)  }
0x26c: {  	v7 =	vadd.f32 $1.000000000e+00, v7  }
0x26d: {  	v6 =	vmul.f32 $1.442695020e+00, v6  }
0x26e: {  	(erf) = vrcp.f32 v7  }
0x26f: {  	(erf) = vpow2.f32 v6;
	_ =	sdelay $0x7  }
0x270: {  	v6 =	vpop (erf)  }
0x271: {  	v7 =	vpop (erf)  }
0x272: {  	v53 =	vld [tilespmem:s24+$0x7790];
	v7 =	vadd.f32 $1.000000000e+00, v7;
	_ =	sdelay $0x1  }
0x273: {  	(erf) = vrcp.f32 v7;
	_ =	sdelay $0x2  }
0x274: {  	v5 =	vadd.f32 v53, v5;
	_ =	sdelay $0x1  }
0x275: {  	v5 =	vmul.f32 v5, v4;
	_ =	sdelay $0x3  }
0x276: {  	vm1 =	vge.f32 v5, $0.0e+00;
	v5 =	vpop (erf)  }
0x277: {  	v5 =	vsel vm1, v6, v5  }
0x278: {  	v27 =	vld [tilespmem:s24+$0x4FA0];
	[tilespmem:s24+$0x8B90] =	vst v5  }
0x279: {  	v5 =	vld [tilespmem:$0x1DFA0]  }
0x27a: {  	v6 =	vld [tilespmem:$0x1DFE0]  }
0x27b: {  	v7 =	vld [tilespmem:$0x1E020]  }
0x27c: {  	v54 =	vld [tilespmem:$0x1E060]  }
0x27d: {  	v55 =	vld [tilespmem:$0x1E0A0]  }
0x27e: {  	v56 =	vld [tilespmem:$0x1E0E0]  }
0x27f: {  	v57 =	vld [tilespmem:$0x1E120]  }
0x280: {  	v58 =	vld [tilespmem:$0x1E160]  }
0x281: {  	v59 =	vld [tilespmem:$0x1E1A0]  }
0x282: {  	v60 =	vld [tilespmem:$0x1E1E0]  }
0x283: {  	v61 =	vld [tilespmem:$0x1E220]  }
0x284: {  	v62 =	vld [tilespmem:$0x1E260]  }
0x285: {  	v63 =	vld [tilespmem:$0x1E2A0]  }
0x286: {  	v24 =	vld [tilespmem:$0x1E2E0]  }
0x287: {  	v25 =	vld [tilespmem:$0x1E320]  }
0x288: {  	v26 =	vld [tilespmem:$0x1E360];
	_ =	sdelay $0x1  }
0x289: {  	v5 =	vadd.f32 v6, v5;
	v6 =	vadd.f32 v54, v7;
	v7 =	vld [tilespmem:s24+$0x63A0]  }
0x28a: {  	v28 =	vadd.f32 v56, v55;
	v29 =	vadd.f32 v58, v57  }
0x28b: {  	v30 =	vadd.f32 v60, v59;
	v31 =	vadd.f32 v62, v61  }
0x28c: {  	v32 =	vadd.f32 v24, v63;
	v33 =	vadd.f32 v26, v25  }
0x28d: {  	v5 =	vadd.f32 v6, v5;
	v6 =	vadd.f32 v29, v28  }
0x28e: {  	v34 =	vadd.f32 v31, v30;
	v35 =	vadd.f32 v33, v32  }
0x28f: {  	v36 =	vld.idx.msk [tilespmem:v27+s13+$0x0], $0xffff  }
0x290: {  	v5 =	vadd.f32 v6, v5;
	v6 =	vadd.f32 v35, v34  }
0x291: {  	v37 =	vld.idx.msk [tilespmem:v7+s13+$0x0], $0xffff  }
0x292: {  	v5 =	vadd.f32 v6, v5;
	_ =	sdelay $0x1  }
0x293: {  	v5 =	vsub.f32 v5, v36;
	_ =	sdelay $0x1  }
0x294: {  	v5 =	vsub.f32 v5, v37;
	_ =	sdelay $0x1  }
0x295: {  	v5 =	vmul.f32 $5.000000000e-01, v5;
	_ =	sdelay $0x1  }
0x296: {  	v6 =	vsub.f32 $0.0e+00, v5;
	_ =	sdelay $0x1  }
0x297: {  	v6 =	vmul.f32 $1.442695020e+00, v6;
	_ =	sdelay $0x1  }
0x298: {  	(erf) = vpow2.f32 v6  }
0x299: {  	v7 =	vld.idx.msk [tilespmem:v7+s6+$0x0], $0xffff  }
0x29a: {  	v6 =	vld.idx.msk [tilespmem:v27+s6+$0x0], $0xffff;
	_ =	sdelay $0x4  }
0x29b: {  	v6 =	vadd.f32 v7, v6;
	_ =	sdelay $0x1  }
0x29c: {  	v6 =	vsub.f32 $0.0e+00, v6;
	v7 =	vpop (erf)  }
0x29d: {  	v7 =	vadd.f32 $1.000000000e+00, v7  }
0x29e: {  	v6 =	vmul.f32 $1.442695020e+00, v6  }
0x29f: {  	(erf) = vrcp.f32 v7  }
0x2a0: {  	(erf) = vpow2.f32 v6;
	_ =	sdelay $0x7  }
0x2a1: {  	v6 =	vpop (erf)  }
0x2a2: {  	v7 =	vpop (erf)  }
0x2a3: {  	v38 =	vld [tilespmem:s24+$0x77A0];
	v7 =	vadd.f32 $1.000000000e+00, v7;
	_ =	sdelay $0x1  }
0x2a4: {  	(erf) = vrcp.f32 v7;
	_ =	sdelay $0x2  }
0x2a5: {  	v5 =	vadd.f32 v38, v5;
	_ =	sdelay $0x1  }
0x2a6: {  	v5 =	vmul.f32 v5, v4;
	_ =	sdelay $0x3  }
0x2a7: {  	vm1 =	vge.f32 v5, $0.0e+00;
	v5 =	vpop (erf)  }
0x2a8: {  	v5 =	vsel vm1, v6, v5  }
0x2a9: {  	v52 =	vld [tilespmem:s24+$0x4FB0];
	[tilespmem:s24+$0x8BA0] =	vst v5  }
0x2aa: {  	v5 =	vld [tilespmem:$0x1DFB0]  }
0x2ab: {  	v6 =	vld [tilespmem:$0x1DFF0]  }
0x2ac: {  	v7 =	vld [tilespmem:$0x1E030]  }
0x2ad: {  	v39 =	vld [tilespmem:$0x1E070]  }
0x2ae: {  	v40 =	vld [tilespmem:$0x1E0B0]  }
0x2af: {  	v41 =	vld [tilespmem:$0x1E0F0]  }
0x2b0: {  	v42 =	vld [tilespmem:$0x1E130]  }
0x2b1: {  	v43 =	vld [tilespmem:$0x1E170]  }
0x2b2: {  	v44 =	vld [tilespmem:$0x1E1B0]  }
0x2b3: {  	v45 =	vld [tilespmem:$0x1E1F0]  }
0x2b4: {  	v46 =	vld [tilespmem:$0x1E230]  }
0x2b5: {  	v47 =	vld [tilespmem:$0x1E270]  }
0x2b6: {  	v48 =	vld [tilespmem:$0x1E2B0]  }
0x2b7: {  	v49 =	vld [tilespmem:$0x1E2F0]  }
0x2b8: {  	v50 =	vld [tilespmem:$0x1E330]  }
0x2b9: {  	v51 =	vld [tilespmem:$0x1E370];
	_ =	sdelay $0x1  }
0x2ba: {  	v5 =	vadd.f32 v6, v5;
	v6 =	vadd.f32 v39, v7;
	v7 =	vld [tilespmem:s24+$0x63B0]  }
0x2bb: {  	v53 =	vadd.f32 v41, v40;
	v54 =	vadd.f32 v43, v42  }
0x2bc: {  	v55 =	vadd.f32 v45, v44;
	v56 =	vadd.f32 v47, v46  }
0x2bd: {  	v57 =	vadd.f32 v49, v48;
	v58 =	vadd.f32 v51, v50  }
0x2be: {  	v5 =	vadd.f32 v6, v5;
	v6 =	vadd.f32 v54, v53  }
0x2bf: {  	v59 =	vadd.f32 v56, v55;
	v60 =	vadd.f32 v58, v57  }
0x2c0: {  	v61 =	vld.idx.msk [tilespmem:v52+s13+$0x0], $0xffff  }
0x2c1: {  	v5 =	vadd.f32 v6, v5;
	v6 =	vadd.f32 v60, v59  }
0x2c2: {  	v62 =	vld.idx.msk [tilespmem:v7+s13+$0x0], $0xffff  }
0x2c3: {  	v5 =	vadd.f32 v6, v5;
	_ =	sdelay $0x1  }
0x2c4: {  	v5 =	vsub.f32 v5, v61;
	_ =	sdelay $0x1  }
0x2c5: {  	v5 =	vsub.f32 v5, v62;
	_ =	sdelay $0x1  }
0x2c6: {  	v5 =	vmul.f32 $5.000000000e-01, v5;
	_ =	sdelay $0x1  }
0x2c7: {  	v6 =	vsub.f32 $0.0e+00, v5;
	_ =	sdelay $0x1  }
0x2c8: {  	v6 =	vmul.f32 $1.442695020e+00, v6;
	_ =	sdelay $0x1  }
0x2c9: {  	(erf) = vpow2.f32 v6  }
0x2ca: {  	v7 =	vld.idx.msk [tilespmem:v7+s6+$0x0], $0xffff  }
0x2cb: {  	v6 =	vld.idx.msk [tilespmem:v52+s6+$0x0], $0xffff;
	_ =	sdelay $0x4  }
0x2cc: {  	v6 =	vadd.f32 v7, v6;
	_ =	sdelay $0x1  }
0x2cd: {  	v6 =	vsub.f32 $0.0e+00, v6;
	v7 =	vpop (erf)  }
0x2ce: {  	v7 =	vadd.f32 $1.000000000e+00, v7  }
0x2cf: {  	v6 =	vmul.f32 $1.442695020e+00, v6  }
0x2d0: {  	(erf) = vrcp.f32 v7  }
0x2d1: {  	(erf) = vpow2.f32 v6;
	_ =	sdelay $0x7  }
0x2d2: {  	v6 =	vpop (erf)  }
0x2d3: {  	v7 =	vpop (erf)  }
0x2d4: {  	v63 =	vld [tilespmem:s24+$0x77B0];
	v7 =	vadd.f32 $1.000000000e+00, v7;
	_ =	sdelay $0x1  }
0x2d5: {  	(erf) = vrcp.f32 v7;
	_ =	sdelay $0x2  }
0x2d6: {  	v5 =	vadd.f32 v63, v5;
	_ =	sdelay $0x1  }
0x2d7: {  	s15 =	sadd.s32 $0x1, s15;
	v5 =	vmul.f32 v5, v4  }
0x2d8: {  	p0 =	sne.s32 s15, $0x50  }
.Ltmp4:
0x2d9: {  	_ = 	snop;
	(pc) =	sbr.rel @p0 .LBB2_2-.Ltmp4, $4  }
0x2da: {  	_ = 	snop  }
0x2db: {  	vm1 =	vge.f32 v5, $0.0e+00;
	v5 =	vpop (erf)  }
0x2dc: {  	v5 =	vsel vm1, v6, v5  }
0x2dd: {  	[tilespmem:s24+$0x8BB0] =	vst v5  }
0x2de: {  	s14 =	sadd.s32 $0x1, s14  }
0x2df: {  	p0 =	sne.s32 s14, s11  }
.Ltmp5:
0x2e0: {  	s3 =	simm.s32 $0x8B80;
	(pc) =	sbr.rel @p0 .LBB2_1-.Ltmp5, $4  }
0x2e1: {  	[hbm4b:s10+s6] =	stream.linear.scatter [tilespmem:s3], [sflag:$0xB], $0x1400, $0x38;
	[tilespmem:$0x1E380] =	vst v63  }
0x2e2: {  	_ =	swait.ge [sflag:s12], $0x1400  }
0x2e3: {  	[sflag:s12] =	ssyncset.done $0x0  }
0x2e4: {  	[sflag:s12] =	ssyncadd.s32 $0xFFFFEC00  }
0x2e5: {  	_ =	sfence.sel $0x180000  }
0x2e6: {  	[bflag:$0x0] =	sbarrier.arrive $0xFFFF  }
0x2e7: {  	_ =	strace $0x90000047  }
0x2e8: {  	s0 =	stileid.u32;
	[bflag:$0x2] =	sbarrier.arrive $0xFFFF  }
0x2e9: {  	p0 =	sne.s32 s0, $0x0;
	s0 =	rddreg [dreg:$0x8]  }
0x2ea: {  	s0 =	sadd.s32 @!p0 $0x100000, s0  }
0x2eb: {  	[sflag:s0] =	ssyncadd.tile.s32 @!p0 $0x1;
	_ =	shalt  }
.Lfunc_end2:
_tile_overlayer_lowered:
.L_overlay_start_2:
0x2ec: {  	(tag) =	ssettag $0x2  }
0x2ed: {  	s0 =	rddreg [dreg:$0x0];
	s2 =	stileid.u32  }
0x2ee: {  	s1 =	rddreg [dreg:$0x1];
	p0 =	sne.s32 s2, $0x0  }
0x2ef: {  	s3 =	rddreg [dreg:$0x2];
	[bflag:$0x3] =	sbarrier.arrive $0xFFFF;
	s2 =	simm.s32 @!p0 $0x1C0B  }
0x2f0: {  	[timem:s3], [sflag:s2] =	dma.local @!p0 [hbm:s0], s1  }
0x2f1: {  	s0 =	simm.s32 @!p0 $0xB  }
0x2f2: {  	_ =	swait.ge @!p0 [sflag:s0], s1  }
0x2f3: {  	s1 =	ssub.s32 @!p0 $0x0, s1;
	[sflag:s0] =	ssyncset.done @!p0 $0x0  }
0x2f4: {  	[sflag:s0] =	ssyncadd.s32 @!p0 s1  }
0x2f5: {  	[bflag:$0x3] =	sbarrier.arrive $0xFFFF  }
0x2f6: {  	_ =	shalt  }

</sc_bundles>
